<compile_context>
chip_gen: v7x
topology: tpu7x:2x2x1
jax: 0.10.2.dev20260603
libtpu: 0.0.44.dev20260713+nightly
codegen_flags: <defaults>
</compile_context>

<pallas_src>
import functools

import jax
import jax.numpy as jnp
from jax.experimental import pallas as pl
from jax.experimental.pallas import tpu as pltpu
from jax.experimental.pallas import tpu_sc as plsc

_B = 1024
_D = 64
_N = 100000
_K = 16
_NQ = 16384
_KB = 1000
_NBLK = _N // _KB
_TAU = 0.1
_BETA = 1.0
_LAMB = 1e-4
_EPS = 1e-8


def _topk_body(q_ref, w_ref, b_ref, x_ref, val_out, idx_out,
               tq_s, val_s, idx_s, sc_s):
    j = pl.program_id(0)

    @pl.when(j == 0)
    def _init():
        tq = jnp.dot(q_ref[...], w_ref[...], preferred_element_type=jnp.float32)
        tq_s[...] = -2.0 * (tq + b_ref[...])
        val_s[...] = jnp.full((_B, _K), jnp.inf, jnp.float32)
        idx_s[...] = jnp.zeros((_B, _K), jnp.float32)

    xb = x_ref[...]
    s = jax.lax.dot_general(tq_s[...], xb, (((1,), (1,)), ((), ())),
                            preferred_element_type=jnp.float32)
    xb2 = jnp.sum(xb * xb, axis=1).reshape(1, _KB)
    sc_s[...] = s + xb2

    col = jax.lax.broadcasted_iota(jnp.int32, (_B, _KB), 1).astype(jnp.float32)
    kio = jax.lax.broadcasted_iota(jnp.int32, (_B, _K), 1).astype(jnp.float32)
    m0 = jnp.min(sc_s[...], axis=1, keepdims=True)

    def cond(c):
        m, val, _ = c
        return jnp.any(m < val[:, _K - 1:_K])

    def body(c):
        m, val, idx = c
        sc = sc_s[...]
        am = jnp.min(jnp.where(sc == m, col, jnp.float32(2.0 ** 24)),
                     axis=1, keepdims=True)
        gidx = am + (j * _KB).astype(jnp.float32)
        pos = jnp.sum((val <= m).astype(jnp.float32), axis=1, keepdims=True)
        val_sh = jnp.concatenate([val[:, :1], val[:, :_K - 1]], axis=1)
        idx_sh = jnp.concatenate([idx[:, :1], idx[:, :_K - 1]], axis=1)
        nval = jnp.where(kio < pos, val, jnp.where(kio == pos, m, val_sh))
        nidx = jnp.where(kio < pos, idx, jnp.where(kio == pos, gidx, idx_sh))
        sc = jnp.where(col == am, jnp.inf, sc)
        sc_s[...] = sc
        m2 = jnp.min(sc, axis=1, keepdims=True)
        return m2, nval, nidx

    _, valf, idxf = jax.lax.while_loop(
        cond, body, (m0, val_s[...], idx_s[...]))
    val_s[...] = valf
    idx_s[...] = idxf

    @pl.when(j == _NBLK - 1)
    def _fin():
        val_out[...] = valf
        idx_out[...] = idxf


_SC_NC = 2
_SC_NS = 16
_SC_NW = _SC_NC * _SC_NS
_BPW = _B // _SC_NW


def _sc_gather_body(tab_hbm, idx_hbm, out_hbm, idx_v, rows_v, sem):
    wid = jax.lax.axis_index("s") * _SC_NC + jax.lax.axis_index("c")
    base = wid * _BPW
    pltpu.sync_copy(idx_hbm.at[pl.ds(base, _BPW)], idx_v)
    pltpu.async_copy(tab_hbm.at[idx_v], rows_v, sem).wait()
    pltpu.sync_copy(rows_v, out_hbm.at[pl.ds(base, _BPW)])


_GD = 128


def _sc_gather(tab, idx):
    mesh = plsc.VectorSubcoreMesh(core_axis_name="c", subcore_axis_name="s")
    return pl.kernel(
        _sc_gather_body,
        mesh=mesh,
        out_type=jax.ShapeDtypeStruct((_B, _GD), jnp.float32),
        scratch_types=[
            pltpu.VMEM((_BPW,), jnp.int32),
            pltpu.VMEM((_BPW, _GD), jnp.float32),
            pltpu.SemaphoreType.DMA,
        ],
    )(tab, idx)


def _loss_body(val_ref, idx_ref, gat_ref, w_ref, b_ref,
               total_out, knn_out):
    val = val_ref[...]
    post_idx = idx_ref[...]

    logits = -val / _TAU
    mx = jnp.max(logits, axis=1, keepdims=True)
    e = jnp.exp(logits - mx)
    post_w = e / jnp.sum(e, axis=1, keepdims=True)

    acc = gat_ref[...]
    pre_w = acc[:, :_K]
    pre_idx = acc[:, _K:2 * _K]

    q_on_pre = jnp.zeros((_B, _K), jnp.float32)
    dup_cols = []
    for jj in range(_K):
        mj = (pre_idx == post_idx[:, jj:jj + 1])
        q_on_pre = q_on_pre + mj.astype(jnp.float32) * post_w[:, jj:jj + 1]
        dup_cols.append(jnp.max(mj.astype(jnp.float32), axis=1, keepdims=True))
    dup = jnp.concatenate(dup_cols, axis=1)
    vf = 1.0 - dup

    p_pre = jnp.maximum(pre_w, _EPS)
    q_pre = jnp.maximum(q_on_pre, _EPS)
    p_post = _EPS * vf
    q_post = jnp.maximum(post_w, _EPS) * vf
    sp = (jnp.sum(p_pre, axis=1, keepdims=True)
          + jnp.sum(p_post, axis=1, keepdims=True))
    sq = (jnp.sum(q_pre, axis=1, keepdims=True)
          + jnp.sum(q_post, axis=1, keepdims=True))

    pre_terms = (p_pre / sp) * (jnp.log(p_pre / sp) - jnp.log(q_pre / sq))
    p2 = _EPS / sp
    q2 = jnp.maximum(post_w, _EPS) / sq
    post_terms = jnp.where(dup == 0.0,
                           p2 * (jnp.log(p2) - jnp.log(q2)), 0.0)

    kl = (jnp.sum(pre_terms, axis=1, keepdims=True)
          + jnp.sum(post_terms, axis=1, keepdims=True))
    knn = jnp.sum(kl) / _B

    w = w_ref[...]
    reg = (jnp.sum(w * w) + jnp.sum(b_ref[...] ** 2)) / 2.0
    total = _BETA * knn + _LAMB * reg

    total_out[...] = total.reshape(1, 1)
    knn_out[...] = knn.reshape(1, 1)


@functools.partial(jax.jit)
def kernel(q_batch, q_indices, W, b, X, pre_indices, pre_weights):
    b2 = b.reshape(1, _D)
    pre_tab = jnp.concatenate(
        [pre_weights, pre_indices.astype(jnp.float32),
         jnp.zeros((_NQ, _GD - 2 * _K), jnp.float32)], axis=1)
    pre_gat = _sc_gather(pre_tab, q_indices.astype(jnp.int32))

    val, idx = pl.pallas_call(
        _topk_body,
        grid=(_NBLK,),
        in_specs=[
            pl.BlockSpec((_B, _D), lambda j: (0, 0)),
            pl.BlockSpec((_D, _D), lambda j: (0, 0)),
            pl.BlockSpec((1, _D), lambda j: (0, 0)),
            pl.BlockSpec((_KB, _D), lambda j: (j, 0)),
        ],
        out_specs=[
            pl.BlockSpec((_B, _K), lambda j: (0, 0)),
            pl.BlockSpec((_B, _K), lambda j: (0, 0)),
        ],
        out_shape=[
            jax.ShapeDtypeStruct((_B, _K), jnp.float32),
            jax.ShapeDtypeStruct((_B, _K), jnp.float32),
        ],
        scratch_shapes=[
            pltpu.VMEM((_B, _D), jnp.float32),
            pltpu.VMEM((_B, _K), jnp.float32),
            pltpu.VMEM((_B, _K), jnp.float32),
            pltpu.VMEM((_B, _KB), jnp.float32),
        ],
    )(q_batch, W, b2, X)

    total, knn = pl.pallas_call(
        _loss_body,
        in_specs=[
            pl.BlockSpec((_B, _K), lambda: (0, 0)),
            pl.BlockSpec((_B, _K), lambda: (0, 0)),
            pl.BlockSpec((_B, _GD), lambda: (0, 0)),
            pl.BlockSpec((_D, _D), lambda: (0, 0)),
            pl.BlockSpec((1, _D), lambda: (0, 0)),
        ],
        out_specs=[
            pl.BlockSpec((1, 1), lambda: (0, 0)),
            pl.BlockSpec((1, 1), lambda: (0, 0)),
        ],
        out_shape=[
            jax.ShapeDtypeStruct((1, 1), jnp.float32),
            jax.ShapeDtypeStruct((1, 1), jnp.float32),
        ],
    )(val, idx, pre_gat, W, b2)

    total_loss = total.reshape(())
    loss_knn = knn.reshape(())
    loss_dist = jnp.asarray(0.0, dtype=jnp.float32)
    return (total_loss, loss_dist, loss_knn)

# --- scband reference (transcript-rebuilt; emitter-appended) ---
"""Pipeline reference for scband-custom-loss-11630771438153 (READ-ONLY COPY).

The authoritative reference and input builder live on the scoring server;
editing this copy changes nothing except your own understanding.
"""

import jax, jax.numpy as jnp
import numpy as np

N_KEYS = 100000
D = 64
NQ = 16384
BATCH = 1024
K = 16
TAU = 0.1
BETA = 1.0
LAMB = 1e-4
EPS = 1e-8


def setup_inputs(seed: int = 0):
    key = jax.random.key(seed)
    ks = jax.random.split(key, 8)
    q_batch = jax.random.normal(ks[0], (BATCH, D), dtype=jnp.float32)
    q_indices = jax.random.randint(ks[1], (BATCH,), 0, NQ)
    # simple linear 'model' parameters (stand-in for the torch nn.Module passed to forward)
    W = jax.random.normal(ks[2], (D, D), dtype=jnp.float32) * 0.1
    b = jnp.zeros((D,), dtype=jnp.float32)
    # key database self.X (faiss index is an exact L2 index over X)
    X = jax.random.normal(ks[3], (N_KEYS, D), dtype=jnp.float32)
    # pre-computed kNN tables: indices are guaranteed distinct within each row
    base = jax.random.randint(ks[4], (NQ,), 0, N_KEYS)
    pre_indices = (base[:, None] + jnp.arange(K)[None, :] * 617) % N_KEYS
    pre_weights = jax.nn.softmax(jax.random.normal(ks[5], (NQ, K), dtype=jnp.float32), axis=1)
    return {"q_batch": q_batch, "q_indices": q_indices, "W": W, "b": b,
            "X": X, "pre_indices": pre_indices, "pre_weights": pre_weights}


def _knn_consistency(T_q, q_indices, X, pre_indices_all, pre_weights_all):
    # faiss exact L2 search on detached queries -> brute force + top_k
    Tq_sg = jax.lax.stop_gradient(T_q)
    d2 = (jnp.sum(Tq_sg ** 2, axis=1, keepdims=True)
          - 2.0 * Tq_sg @ X.T
          + jnp.sum(X ** 2, axis=1)[None, :])
    _, post_idx = jax.lax.top_k(-d2, K)  # [B, K] nearest neighbors
    X_neighbors = X[post_idx]  # [B, K, D] gather
    l2_dist_sq = jnp.sum((T_q[:, None, :] - X_neighbors) ** 2, axis=-1)  # [B, K]
    post_w = jax.nn.softmax(-l2_dist_sq / TAU, axis=1)  # [B, K]
    pre_idx = pre_indices_all[q_indices]  # [B, K]
    pre_w = pre_weights_all[q_indices]    # [B, K]
    # union construction: slots = [pre slots (K), post slots (K)]; post slots that
    # duplicate a pre index are folded into the corresponding pre slot.
    match = (pre_idx[:, :, None] == post_idx[:, None, :])  # [B, K, K]
    dup_post = jnp.any(match, axis=1)  # [B, K]
    valid = jnp.concatenate([jnp.ones_like(dup_post), jnp.logical_not(dup_post)], axis=1)  # [B, 2K]
    p_raw = jnp.concatenate([pre_w, jnp.zeros_like(post_w)], axis=1)
    q_on_pre = jnp.einsum('bij,bj->bi', match.astype(post_w.dtype), post_w)
    q_raw = jnp.concatenate([q_on_pre, post_w], axis=1)
    vf = valid.astype(p_raw.dtype)
    p_c = jnp.maximum(p_raw, EPS) * vf
    q_c = jnp.maximum(q_raw, EPS) * vf
    p = p_c / jnp.sum(p_c, axis=1, keepdims=True)
    q = q_c / jnp.sum(q_c, axis=1, keepdims=True)
    p_safe = jnp.where(valid, p, 1.0)
    q_safe = jnp.where(valid, q, 1.0)
    kl = jnp.sum(jnp.where(valid, p_safe * (jnp.log(p_safe) - jnp.log(q_safe)), 0.0), axis=1)
    return jnp.mean(kl)


def reference(q_batch, q_indices, W, b, X, pre_indices, pre_weights):
    T_q = q_batch @ W + b  # model forward
    loss_dist = jnp.asarray(0.0, dtype=jnp.float32)
    loss_knn = _knn_consistency(T_q, q_indices, X, pre_indices, pre_weights)
    loss_reg = (jnp.sum(W ** 2) + jnp.sum(b ** 2)) / 2.0  # L2 reg over model params
    total_loss = BETA * loss_knn + LAMB * loss_reg
    return (total_loss, loss_dist, loss_knn)

if __name__ == "__main__":
    import jax
    _d = setup_inputs()
    print(jax.jit(kernel)(*tuple(_d.values())))

</pallas_src>

<mosaic_0001>
#map = affine_map<(d0, d1) -> (0, 0)>
#map1 = affine_map<(d0, d1) -> (0)>
module attributes {stable_mosaic.version = 14 : i64} {
  func.func @_sc_gather_body(%arg0: i32, %arg1: i32, %arg2: memref<16384x128xf32, #tpu.memory_space<hbm>>, %arg3: memref<1024xi32, #tpu.memory_space<hbm>>, %arg4: memref<1024x128xf32, #tpu.memory_space<hbm>>, %arg5: memref<32xi32, #tpu.memory_space<vmem>>, %arg6: memref<32x128xf32, #tpu.memory_space<vmem>>, %arg7: memref<!tpu.dma_semaphore, #tpu.memory_space<semaphore_mem>>) attributes {dimension_semantics = [#tpu.dimension_semantics<core_parallel>, #tpu.dimension_semantics<subcore_parallel>], iteration_bounds = array<i64: 2, 16>, scalar_prefetch = 0 : i64, scratch_operands = 3 : i64, tpu.core_type = #tpu.core_type<sc_vector_subcore>, window_params = [{transform_indices = #map}, {transform_indices = #map1}, {transform_indices = #map}]} {
    %mul3A = arith.constant 2 : i32
    %mul3A_0 = arith.muli %arg1, %mul3A : i32
    %add3A = arith.addi %mul3A_0, %arg0 : i32
    %mul3A_1 = arith.constant 32 : i32
    %mul3A_2 = arith.muli %add3A, %mul3A_1 : i32
    "tpu.region"() ({
      %run_scoped3A = tpu.sem_alloc : memref<!tpu.dma_semaphore, #tpu.memory_space<semaphore_mem>>
      %dma_start3A_7 = tpu.memref_slice %arg3[%mul3A_2] : memref<1024xi32, #tpu.memory_space<hbm>> -> memref<32xi32, #tpu.memory_space<hbm>>
      %dma_start3A_8 = tpu.memref_slice %arg3[%mul3A_2] : memref<1024xi32, #tpu.memory_space<hbm>> -> memref<32xi32, #tpu.memory_space<hbm>>
      tpu.enqueue_dma source(%dma_start3A_8 : memref<32xi32, #tpu.memory_space<hbm>>) target(%arg5 : memref<32xi32, #tpu.memory_space<vmem>>) target_semaphore(%run_scoped3A : memref<!tpu.dma_semaphore, #tpu.memory_space<semaphore_mem>>)
      %dma_wait3A_9 = tpu.memref_slice %arg3[%mul3A_2] : memref<1024xi32, #tpu.memory_space<hbm>> -> memref<32xi32, #tpu.memory_space<hbm>>
      %dma_wait3A_10 = tpu.memref_slice %arg3[%mul3A_2] : memref<1024xi32, #tpu.memory_space<hbm>> -> memref<32xi32, #tpu.memory_space<hbm>>
      tpu.wait_dma2 semaphore(%run_scoped3A : memref<!tpu.dma_semaphore, #tpu.memory_space<semaphore_mem>>) src(%dma_wait3A_10 : memref<32xi32, #tpu.memory_space<hbm>>) dst(%arg5 : memref<32xi32, #tpu.memory_space<vmem>>)
      tpu.yield
    }) : () -> ()
    %dma_start3A = arith.constant 0 : i32
    %dma_start3A_3 = arith.constant 0 : i32
    %dma_start3A_4 = tpu.memref_slice %arg2[%dma_start3A, %dma_start3A_3] : memref<16384x128xf32, #tpu.memory_space<hbm>> -> memref<16384x128xf32, #tpu.memory_space<hbm>>
    tpu.enqueue_indirect_dma source(%dma_start3A_4 : memref<16384x128xf32, #tpu.memory_space<hbm>>) target(%arg6 : memref<32x128xf32, #tpu.memory_space<vmem>>) offsets(%arg5 : memref<32xi32, #tpu.memory_space<vmem>>) semaphore(%arg7 : memref<!tpu.dma_semaphore, #tpu.memory_space<semaphore_mem>>)
    %dma_wait3A = arith.constant 0 : i32
    %dma_wait3A_5 = arith.constant 0 : i32
    %dma_wait3A_6 = tpu.memref_slice %arg2[%dma_wait3A, %dma_wait3A_5] : memref<16384x128xf32, #tpu.memory_space<hbm>> -> memref<16384x128xf32, #tpu.memory_space<hbm>>
    tpu.wait_indirect_dma semaphore(%arg7 : memref<!tpu.dma_semaphore, #tpu.memory_space<semaphore_mem>>) src(%dma_wait3A_6 : memref<16384x128xf32, #tpu.memory_space<hbm>>) dst(%arg6 : memref<32x128xf32, #tpu.memory_space<vmem>>)
    "tpu.region"() ({
      %run_scoped3A = tpu.sem_alloc : memref<!tpu.dma_semaphore, #tpu.memory_space<semaphore_mem>>
      %dma_start3A_7 = arith.constant 0 : i32
      %dma_start3A_8 = tpu.memref_slice %arg4[%mul3A_2, %dma_start3A_7] : memref<1024x128xf32, #tpu.memory_space<hbm>> -> memref<32x128xf32, #tpu.memory_space<hbm>>
      %dma_start3A_9 = arith.constant 0 : i32
      %dma_start3A_10 = tpu.memref_slice %arg4[%mul3A_2, %dma_start3A_9] : memref<1024x128xf32, #tpu.memory_space<hbm>> -> memref<32x128xf32, #tpu.memory_space<hbm>>
      tpu.enqueue_dma source(%arg6 : memref<32x128xf32, #tpu.memory_space<vmem>>) target(%dma_start3A_10 : memref<32x128xf32, #tpu.memory_space<hbm>>) target_semaphore(%run_scoped3A : memref<!tpu.dma_semaphore, #tpu.memory_space<semaphore_mem>>)
      %dma_wait3A_11 = arith.constant 0 : i32
      %dma_wait3A_12 = tpu.memref_slice %arg4[%mul3A_2, %dma_wait3A_11] : memref<1024x128xf32, #tpu.memory_space<hbm>> -> memref<32x128xf32, #tpu.memory_space<hbm>>
      %dma_wait3A_13 = arith.constant 0 : i32
      %dma_wait3A_14 = tpu.memref_slice %arg4[%mul3A_2, %dma_wait3A_13] : memref<1024x128xf32, #tpu.memory_space<hbm>> -> memref<32x128xf32, #tpu.memory_space<hbm>>
      tpu.wait_dma2 semaphore(%run_scoped3A : memref<!tpu.dma_semaphore, #tpu.memory_space<semaphore_mem>>) src(%arg6 : memref<32x128xf32, #tpu.memory_space<vmem>>) dst(%dma_wait3A_14 : memref<32x128xf32, #tpu.memory_space<hbm>>)
      tpu.yield
    }) : () -> ()
    return
  }
}

module attributes {stable_mosaic.version = 14 : i64} {
  func.func @_topk_body(%arg0: i32, %arg1: memref<1024x64xf32, #tpu.memory_space<vmem>>, %arg2: memref<64x64xf32, #tpu.memory_space<vmem>>, %arg3: memref<1x64xf32, #tpu.memory_space<vmem>>, %arg4: memref<1000x64xf32, #tpu.memory_space<vmem>>, %arg5: memref<1024x16xf32, #tpu.memory_space<vmem>>, %arg6: memref<1024x16xf32, #tpu.memory_space<vmem>>, %arg7: memref<1024x64xf32, #tpu.memory_space<vmem>>, %arg8: memref<1024x16xf32, #tpu.memory_space<vmem>>, %arg9: memref<1024x16xf32, #tpu.memory_space<vmem>>, %arg10: memref<1024x1000xf32, #tpu.memory_space<vmem>>) attributes {dimension_semantics = [#tpu.dimension_semantics<arbitrary>], iteration_bounds = array<i64: 100>, scalar_prefetch = 0 : i64, scratch_operands = 4 : i64, tpu.core_type = #tpu.core_type<tc>, window_params = [{pipeline_mode = #tpu.pipeline_mode<synchronous>, transform_indices = @transform_0, window_bounds = array<i64: 1024, 64>}, {pipeline_mode = #tpu.pipeline_mode<synchronous>, transform_indices = @transform_1, window_bounds = array<i64: 64, 64>}, {pipeline_mode = #tpu.pipeline_mode<synchronous>, transform_indices = @transform_2, window_bounds = array<i64: 1, 64>}, {transform_indices = @transform_3, window_bounds = array<i64: 1000, 64>}, {pipeline_mode = #tpu.pipeline_mode<synchronous>, transform_indices = @transform_4, window_bounds = array<i64: 1024, 16>}, {pipeline_mode = #tpu.pipeline_mode<synchronous>, transform_indices = @transform_5, window_bounds = array<i64: 1024, 16>}]} {
    %eq3A = arith.constant 0 : i32
    %eq3A_0 = arith.cmpi eq, %arg0, %eq3A : i32
    %convert_element_type3A = arith.extui %eq3A_0 : i1 to i32
    %cond3A = arith.constant 0 : i32
    %cond3A_1 = arith.cmpi ne, %convert_element_type3A, %cond3A : i32
    scf.if %cond3A_1 {
      %get3A_36 = arith.constant 0 : index
      %get3A_37 = arith.constant 0 : index
      %get3A_38 = vector.load %arg1[%get3A_36, %get3A_37] : memref<1024x64xf32, #tpu.memory_space<vmem>>, vector<1024x64xf32>
      %get3A_39 = arith.constant 0 : index
      %get3A_40 = arith.constant 0 : index
      %get3A_41 = vector.load %arg2[%get3A_39, %get3A_40] : memref<64x64xf32, #tpu.memory_space<vmem>>, vector<64x64xf32>
      %dot_general3A_42 = arith.constant dense<0.000000e+00> : vector<1024x64xf32>
      %dot_general3A_43 = tpu.matmul %get3A_38, %get3A_41, %dot_general3A_42 {dimension_numbers = #tpu.dot_dimension_numbers<[1], [0], [0], [1], [0, 0, 1, 1], [], []>, transpose_lhs_hint = false} : vector<1024x64xf32>, vector<64x64xf32>, vector<1024x64xf32> -> vector<1024x64xf32>
      %get3A_44 = arith.constant 0 : index
      %get3A_45 = arith.constant 0 : index
      %get3A_46 = vector.load %arg3[%get3A_44, %get3A_45] : memref<1x64xf32, #tpu.memory_space<vmem>>, vector<1x64xf32>
      %add3A_47 = vector.broadcast %get3A_46 : vector<1x64xf32> to vector<1024x64xf32>
      %add3A_48 = arith.addf %dot_general3A_43, %add3A_47 : vector<1024x64xf32>
      %mul3A_49 = arith.constant -2.000000e+00 : f32
      %mul3A_50 = vector.broadcast %mul3A_49 : f32 to vector<1024x64xf32>
      %mul3A_51 = arith.mulf %mul3A_50, %add3A_48 : vector<1024x64xf32>
      %swap3A_52 = arith.constant 0 : index
      %swap3A_53 = arith.constant 0 : index
      %swap3A_54 = vector.load %arg7[%swap3A_52, %swap3A_53] : memref<1024x64xf32, #tpu.memory_space<vmem>>, vector<1024x64xf32>
      tpu.vector_store %arg7[%swap3A_52, %swap3A_53], %mul3A_51 {strides = array<i32>} : memref<1024x64xf32, #tpu.memory_space<vmem>>, vector<1024x64xf32>,
      %broadcast_in_dim3A_55 = arith.constant 0x7F800000 : f32
      %broadcast_in_dim3A_56 = vector.broadcast %broadcast_in_dim3A_55 : f32 to vector<1024x16xf32>
      %swap3A_57 = arith.constant 0 : index
      %swap3A_58 = arith.constant 0 : index
      %swap3A_59 = vector.load %arg8[%swap3A_57, %swap3A_58] : memref<1024x16xf32, #tpu.memory_space<vmem>>, vector<1024x16xf32>
      tpu.vector_store %arg8[%swap3A_57, %swap3A_58], %broadcast_in_dim3A_56 {strides = array<i32>} : memref<1024x16xf32, #tpu.memory_space<vmem>>, vector<1024x16xf32>,
      %broadcast_in_dim3A_60 = arith.constant 0.000000e+00 : f32
      %broadcast_in_dim3A_61 = vector.broadcast %broadcast_in_dim3A_60 : f32 to vector<1024x16xf32>
      %swap3A_62 = arith.constant 0 : index
      %swap3A_63 = arith.constant 0 : index
      %swap3A_64 = vector.load %arg9[%swap3A_62, %swap3A_63] : memref<1024x16xf32, #tpu.memory_space<vmem>>, vector<1024x16xf32>
      tpu.vector_store %arg9[%swap3A_62, %swap3A_63], %broadcast_in_dim3A_61 {strides = array<i32>} : memref<1024x16xf32, #tpu.memory_space<vmem>>, vector<1024x16xf32>,
    } else {
    }
    %get3A = arith.constant 0 : index
    %get3A_2 = arith.constant 0 : index
    %get3A_3 = vector.load %arg4[%get3A, %get3A_2] : memref<1000x64xf32, #tpu.memory_space<vmem>>, vector<1000x64xf32>
    %get3A_4 = arith.constant 0 : index
    %get3A_5 = arith.constant 0 : index
    %get3A_6 = vector.load %arg7[%get3A_4, %get3A_5] : memref<1024x64xf32, #tpu.memory_space<vmem>>, vector<1024x64xf32>
    %dot_general3A = arith.constant dense<0.000000e+00> : vector<1024x1000xf32>
    %dot_general3A_7 = tpu.matmul %get3A_6, %get3A_3, %dot_general3A {dimension_numbers = #tpu.dot_dimension_numbers<[1], [1], [0], [0], [0, 0, 1, 0], [], []>, transpose_lhs_hint = false} : vector<1024x64xf32>, vector<1000x64xf32>, vector<1024x1000xf32> -> vector<1024x1000xf32>
    %mul3A = arith.mulf %get3A_3, %get3A_3 : vector<1000x64xf32>
    %reduce_sum3A = arith.constant dense<0.000000e+00> : vector<1000xf32>
    %reduce_sum3A_8 = vector.multi_reduction <add>, %mul3A, %reduce_sum3A [1] : vector<1000x64xf32> to vector<1000xf32>
    %reshape3A = vector.shape_cast %reduce_sum3A_8 : vector<1000xf32> to vector<1x1000xf32>
    %add3A = vector.broadcast %reshape3A : vector<1x1000xf32> to vector<1024x1000xf32>
    %add3A_9 = arith.addf %dot_general3A_7, %add3A : vector<1024x1000xf32>
    %swap3A = arith.constant 0 : index
    %swap3A_10 = arith.constant 0 : index
    %swap3A_11 = vector.load %arg10[%swap3A, %swap3A_10] : memref<1024x1000xf32, #tpu.memory_space<vmem>>, vector<1024x1000xf32>
    tpu.vector_store %arg10[%swap3A, %swap3A_10], %add3A_9 {strides = array<i32>} : memref<1024x1000xf32, #tpu.memory_space<vmem>>, vector<1024x1000xf32>,
    %iota3A = tpu.iota {dimensions = array<i32: 1>} : vector<1024x1000xi32>
    %convert_element_type3A_12 = arith.sitofp %iota3A : vector<1024x1000xi32> to vector<1024x1000xf32>
    %iota3A_13 = tpu.iota {dimensions = array<i32: 1>} : vector<1024x16xi32>
    %convert_element_type3A_14 = arith.sitofp %iota3A_13 : vector<1024x16xi32> to vector<1024x16xf32>
    %get3A_15 = arith.constant 0 : index
    %get3A_16 = arith.constant 0 : index
    %get3A_17 = vector.load %arg10[%get3A_15, %get3A_16] : memref<1024x1000xf32, #tpu.memory_space<vmem>>, vector<1024x1000xf32>
    %reduce_min3A = arith.constant dense<0x7F800000> : vector<1024xf32>
    %reduce_min3A_18 = vector.multi_reduction <minimumf>, %get3A_17, %reduce_min3A [1] : vector<1024x1000xf32> to vector<1024xf32>
    %broadcast_in_dim3A = vector.shape_cast %reduce_min3A_18 : vector<1024xf32> to vector<1024x1xf32>
    %get3A_19 = arith.constant 0 : index
    %get3A_20 = arith.constant 0 : index
    %get3A_21 = vector.load %arg8[%get3A_19, %get3A_20] : memref<1024x16xf32, #tpu.memory_space<vmem>>, vector<1024x16xf32>
    %get3A_22 = arith.constant 0 : index
    %get3A_23 = arith.constant 0 : index
    %get3A_24 = vector.load %arg9[%get3A_22, %get3A_23] : memref<1024x16xf32, #tpu.memory_space<vmem>>, vector<1024x16xf32>
    %while3A:3 = scf.while (%while3A_36 = %broadcast_in_dim3A, %while3A_37 = %get3A_21, %while3A_38 = %get3A_24) : (vector<1024x1xf32>, vector<1024x16xf32>, vector<1024x16xf32>) -> (vector<1024x1xf32>, vector<1024x16xf32>, vector<1024x16xf32>) {
      %slice3A = vector.extract_strided_slice %while3A_37 {offsets = [0, 15], sizes = [1024, 1], strides = [1, 1]} : vector<1024x16xf32> to vector<1024x1xf32>
      %lt3A = arith.cmpf olt, %while3A_36, %slice3A : vector<1024x1xf32>
      %reduce_or3A = arith.constant 1.000000e+00 : f32
      %reduce_or3A_39 = arith.constant 0.000000e+00 : f32
      %reduce_or3A_40 = vector.broadcast %reduce_or3A : f32 to vector<1024x1xf32>
      %reduce_or3A_41 = vector.broadcast %reduce_or3A_39 : f32 to vector<1024x1xf32>
      %reduce_or3A_42 = arith.select %lt3A, %reduce_or3A_40, %reduce_or3A_41 : vector<1024x1xi1>, vector<1024x1xf32>
      %reduce_or3A_43 = vector.shape_cast %reduce_or3A_42 : vector<1024x1xf32> to vector<1x1024x1xf32>
      %reduce_or3A_44 = arith.constant dense<0xFF800000> : vector<1xf32>
      %reduce_or3A_45 = vector.multi_reduction <maximumf>, %reduce_or3A_43, %reduce_or3A_44 [1, 2] : vector<1x1024x1xf32> to vector<1xf32>
      %reduce_or3A_46 = vector.shape_cast %reduce_or3A_45 : vector<1xf32> to vector<1x1x1xf32>
      %reduce_or3A_47 = vector.extract %reduce_or3A_46[0, 0, 0] : f32 from vector<1x1x1xf32>
      %reduce_or3A_48 = arith.constant 0.000000e+00 : f32
      %reduce_or3A_49 = arith.cmpf ogt, %reduce_or3A_47, %reduce_or3A_48 : f32
      scf.condition(%reduce_or3A_49) %while3A_36, %while3A_37, %while3A_38 : vector<1024x1xf32>, vector<1024x16xf32>, vector<1024x16xf32>
    } do {
    ^bb0(%while3A_36: vector<1024x1xf32>, %while3A_37: vector<1024x16xf32>, %while3A_38: vector<1024x16xf32>):
      %get3A_39 = arith.constant 0 : index
      %get3A_40 = arith.constant 0 : index
      %get3A_41 = vector.load %arg10[%get3A_39, %get3A_40] : memref<1024x1000xf32, #tpu.memory_space<vmem>>, vector<1024x1000xf32>
      %eq3A_42 = vector.broadcast %while3A_36 : vector<1024x1xf32> to vector<1024x1000xf32>
      %eq3A_43 = arith.cmpf oeq, %get3A_41, %eq3A_42 : vector<1024x1000xf32>
      %jit3A = arith.constant 0x4B800000 : f32
      %broadcast_in_dim3A_44 = vector.broadcast %jit3A : f32 to vector<1024x1000xf32>
      %select_n3A = arith.select %eq3A_43, %convert_element_type3A_12, %broadcast_in_dim3A_44 : vector<1024x1000xi1>, vector<1024x1000xf32>
      %reduce_min3A_45 = arith.constant dense<0x7F800000> : vector<1024xf32>
      %reduce_min3A_46 = vector.multi_reduction <minimumf>, %select_n3A, %reduce_min3A_45 [1] : vector<1024x1000xf32> to vector<1024xf32>
      %broadcast_in_dim3A_47 = vector.shape_cast %reduce_min3A_46 : vector<1024xf32> to vector<1024x1xf32>
      %mul3A_48 = arith.constant 1000 : i32
      %mul3A_49 = arith.muli %arg0, %mul3A_48 : i32
      %convert_element_type3A_50 = arith.sitofp %mul3A_49 : i32 to f32
      %add3A_51 = vector.broadcast %convert_element_type3A_50 : f32 to vector<1024x1xf32>
      %add3A_52 = arith.addf %broadcast_in_dim3A_47, %add3A_51 : vector<1024x1xf32>
      %le3A = vector.broadcast %while3A_36 : vector<1024x1xf32> to vector<1024x16xf32>
      %le3A_53 = arith.cmpf ole, %while3A_37, %le3A : vector<1024x16xf32>
      %convert_element_type3A_54 = arith.extui %le3A_53 : vector<1024x16xi1> to vector<1024x16xi32>
      %convert_element_type3A_55 = arith.sitofp %convert_element_type3A_54 : vector<1024x16xi32> to vector<1024x16xf32>
      %reduce_sum3A_56 = arith.constant dense<0.000000e+00> : vector<1024xf32>
      %reduce_sum3A_57 = vector.multi_reduction <add>, %convert_element_type3A_55, %reduce_sum3A_56 [1] : vector<1024x16xf32> to vector<1024xf32>
      %broadcast_in_dim3A_58 = vector.shape_cast %reduce_sum3A_57 : vector<1024xf32> to vector<1024x1xf32>
      %slice3A = vector.extract_strided_slice %while3A_37 {offsets = [0, 0], sizes = [1024, 1], strides = [1, 1]} : vector<1024x16xf32> to vector<1024x1xf32>
      %slice3A_59 = vector.extract_strided_slice %while3A_37 {offsets = [0, 0], sizes = [1024, 15], strides = [1, 1]} : vector<1024x16xf32> to vector<1024x15xf32>
      %concatenate3A = tpu.concatenate %slice3A, %slice3A_59 in 1 : vector<1024x1xf32>, vector<1024x15xf32> -> vector<1024x16xf32>
      %slice3A_60 = vector.extract_strided_slice %while3A_38 {offsets = [0, 0], sizes = [1024, 1], strides = [1, 1]} : vector<1024x16xf32> to vector<1024x1xf32>
      %slice3A_61 = vector.extract_strided_slice %while3A_38 {offsets = [0, 0], sizes = [1024, 15], strides = [1, 1]} : vector<1024x16xf32> to vector<1024x15xf32>
      %concatenate3A_62 = tpu.concatenate %slice3A_60, %slice3A_61 in 1 : vector<1024x1xf32>, vector<1024x15xf32> -> vector<1024x16xf32>
      %lt3A = vector.broadcast %broadcast_in_dim3A_58 : vector<1024x1xf32> to vector<1024x16xf32>
      %lt3A_63 = arith.cmpf olt, %convert_element_type3A_14, %lt3A : vector<1024x16xf32>
      %eq3A_64 = vector.broadcast %broadcast_in_dim3A_58 : vector<1024x1xf32> to vector<1024x16xf32>
      %eq3A_65 = arith.cmpf oeq, %convert_element_type3A_14, %eq3A_64 : vector<1024x16xf32>
      %broadcast_in_dim3A_66 = vector.shape_cast %while3A_36 : vector<1024x1xf32> to vector<1024x1xf32>
      %broadcast_in_dim3A_67 = vector.broadcast %broadcast_in_dim3A_66 : vector<1024x1xf32> to vector<1024x16xf32>
      %select_n3A_68 = arith.select %eq3A_65, %broadcast_in_dim3A_67, %concatenate3A : vector<1024x16xi1>, vector<1024x16xf32>
      %select_n3A_69 = arith.select %lt3A_63, %while3A_37, %select_n3A_68 : vector<1024x16xi1>, vector<1024x16xf32>
      %lt3A_70 = vector.broadcast %broadcast_in_dim3A_58 : vector<1024x1xf32> to vector<1024x16xf32>
      %lt3A_71 = arith.cmpf olt, %convert_element_type3A_14, %lt3A_70 : vector<1024x16xf32>
      %eq3A_72 = vector.broadcast %broadcast_in_dim3A_58 : vector<1024x1xf32> to vector<1024x16xf32>
      %eq3A_73 = arith.cmpf oeq, %convert_element_type3A_14, %eq3A_72 : vector<1024x16xf32>
      %broadcast_in_dim3A_74 = vector.shape_cast %add3A_52 : vector<1024x1xf32> to vector<1024x1xf32>
      %broadcast_in_dim3A_75 = vector.broadcast %broadcast_in_dim3A_74 : vector<1024x1xf32> to vector<1024x16xf32>
      %select_n3A_76 = arith.select %eq3A_73, %broadcast_in_dim3A_75, %concatenate3A_62 : vector<1024x16xi1>, vector<1024x16xf32>
      %select_n3A_77 = arith.select %lt3A_71, %while3A_38, %select_n3A_76 : vector<1024x16xi1>, vector<1024x16xf32>
      %eq3A_78 = vector.broadcast %broadcast_in_dim3A_47 : vector<1024x1xf32> to vector<1024x1000xf32>
      %eq3A_79 = arith.cmpf oeq, %convert_element_type3A_12, %eq3A_78 : vector<1024x1000xf32>
      %jit3A_80 = arith.constant 0x7F800000 : f32
      %broadcast_in_dim3A_81 = vector.broadcast %jit3A_80 : f32 to vector<1024x1000xf32>
      %select_n3A_82 = arith.select %eq3A_79, %broadcast_in_dim3A_81, %get3A_41 : vector<1024x1000xi1>, vector<1024x1000xf32>
      %swap3A_83 = arith.constant 0 : index
      %swap3A_84 = arith.constant 0 : index
      %swap3A_85 = vector.load %arg10[%swap3A_83, %swap3A_84] : memref<1024x1000xf32, #tpu.memory_space<vmem>>, vector<1024x1000xf32>
      tpu.vector_store %arg10[%swap3A_83, %swap3A_84], %select_n3A_82 {strides = array<i32>} : memref<1024x1000xf32, #tpu.memory_space<vmem>>, vector<1024x1000xf32>,
      %reduce_min3A_86 = arith.constant dense<0x7F800000> : vector<1024xf32>
      %reduce_min3A_87 = vector.multi_reduction <minimumf>, %select_n3A_82, %reduce_min3A_86 [1] : vector<1024x1000xf32> to vector<1024xf32>
      %broadcast_in_dim3A_88 = vector.shape_cast %reduce_min3A_87 : vector<1024xf32> to vector<1024x1xf32>
      scf.yield %broadcast_in_dim3A_88, %select_n3A_69, %select_n3A_77 : vector<1024x1xf32>, vector<1024x16xf32>, vector<1024x16xf32>
    }
    %swap3A_25 = arith.constant 0 : index
    %swap3A_26 = arith.constant 0 : index
    %swap3A_27 = vector.load %arg8[%swap3A_25, %swap3A_26] : memref<1024x16xf32, #tpu.memory_space<vmem>>, vector<1024x16xf32>
    tpu.vector_store %arg8[%swap3A_25, %swap3A_26], %while3A#1 {strides = array<i32>} : memref<1024x16xf32, #tpu.memory_space<vmem>>, vector<1024x16xf32>,
    %swap3A_28 = arith.constant 0 : index
    %swap3A_29 = arith.constant 0 : index
    %swap3A_30 = vector.load %arg9[%swap3A_28, %swap3A_29] : memref<1024x16xf32, #tpu.memory_space<vmem>>, vector<1024x16xf32>
    tpu.vector_store %arg9[%swap3A_28, %swap3A_29], %while3A#2 {strides = array<i32>} : memref<1024x16xf32, #tpu.memory_space<vmem>>, vector<1024x16xf32>,
    %eq3A_31 = arith.constant 99 : i32
    %eq3A_32 = arith.cmpi eq, %arg0, %eq3A_31 : i32
    %convert_element_type3A_33 = arith.extui %eq3A_32 : i1 to i32
    %cond3A_34 = arith.constant 0 : i32
    %cond3A_35 = arith.cmpi ne, %convert_element_type3A_33, %cond3A_34 : i32
    scf.if %cond3A_35 {
      %swap3A_36 = arith.constant 0 : index
      %swap3A_37 = arith.constant 0 : index
      %swap3A_38 = vector.load %arg5[%swap3A_36, %swap3A_37] : memref<1024x16xf32, #tpu.memory_space<vmem>>, vector<1024x16xf32>
      tpu.vector_store %arg5[%swap3A_36, %swap3A_37], %while3A#1 {strides = array<i32>} : memref<1024x16xf32, #tpu.memory_space<vmem>>, vector<1024x16xf32>,
      %swap3A_39 = arith.constant 0 : index
      %swap3A_40 = arith.constant 0 : index
      %swap3A_41 = vector.load %arg6[%swap3A_39, %swap3A_40] : memref<1024x16xf32, #tpu.memory_space<vmem>>, vector<1024x16xf32>
      tpu.vector_store %arg6[%swap3A_39, %swap3A_40], %while3A#2 {strides = array<i32>} : memref<1024x16xf32, #tpu.memory_space<vmem>>, vector<1024x16xf32>,
    } else {
    }
    return
  }
  func.func @transform_0(%arg0: i32) -> (i32, i32) {
    %c0_i32 = arith.constant 0 : i32
    %c0_i32_0 = arith.constant 0 : i32
    %c0_i32_1 = arith.constant 0 : i32
    return %c0_i32, %c0_i32_0 : i32, i32
  }
  func.func @transform_1(%arg0: i32) -> (i32, i32) {
    %c0_i32 = arith.constant 0 : i32
    %c0_i32_0 = arith.constant 0 : i32
    %c0_i32_1 = arith.constant 0 : i32
    return %c0_i32, %c0_i32_0 : i32, i32
  }
  func.func @transform_2(%arg0: i32) -> (i32, i32) {
    %c0_i32 = arith.constant 0 : i32
    %c0_i32_0 = arith.constant 0 : i32
    %c0_i32_1 = arith.constant 0 : i32
    return %c0_i32, %c0_i32_0 : i32, i32
  }
  func.func @transform_3(%arg0: i32) -> (i32, i32) {
    %c0_i32 = arith.constant 0 : i32
    %c0_i32_0 = arith.constant 0 : i32
    return %arg0, %c0_i32 : i32, i32
  }
  func.func @transform_4(%arg0: i32) -> (i32, i32) {
    %c0_i32 = arith.constant 0 : i32
    %c0_i32_0 = arith.constant 0 : i32
    %c0_i32_1 = arith.constant 0 : i32
    return %c0_i32, %c0_i32_0 : i32, i32
  }
  func.func @transform_5(%arg0: i32) -> (i32, i32) {
    %c0_i32 = arith.constant 0 : i32
    %c0_i32_0 = arith.constant 0 : i32
    %c0_i32_1 = arith.constant 0 : i32
    return %c0_i32, %c0_i32_0 : i32, i32
  }
}

module attributes {stable_mosaic.version = 14 : i64} {
  func.func @_loss_body(%arg0: memref<1024x16xf32, #tpu.memory_space<vmem>>, %arg1: memref<1024x16xf32, #tpu.memory_space<vmem>>, %arg2: memref<1024x128xf32, #tpu.memory_space<vmem>>, %arg3: memref<64x64xf32, #tpu.memory_space<vmem>>, %arg4: memref<1x64xf32, #tpu.memory_space<vmem>>, %arg5: memref<1x1xf32, #tpu.memory_space<vmem>>, %arg6: memref<1x1xf32, #tpu.memory_space<vmem>>) attributes {dimension_semantics = [], scalar_prefetch = 0 : i64, scratch_operands = 0 : i64, tpu.core_type = #tpu.core_type<tc>} {
    %get3A = arith.constant 0 : index
    %get3A_0 = arith.constant 0 : index
    %get3A_1 = vector.load %arg0[%get3A, %get3A_0] : memref<1024x16xf32, #tpu.memory_space<vmem>>, vector<1024x16xf32>
    %get3A_2 = arith.constant 0 : index
    %get3A_3 = arith.constant 0 : index
    %get3A_4 = vector.load %arg1[%get3A_2, %get3A_3] : memref<1024x16xf32, #tpu.memory_space<vmem>>, vector<1024x16xf32>
    %neg3A = arith.constant 0.000000e+00 : f32
    %neg3A_5 = vector.broadcast %neg3A : f32 to vector<1024x16xf32>
    %neg3A_6 = arith.subf %neg3A_5, %get3A_1 : vector<1024x16xf32>
    %div3A = arith.constant 1.000000e-01 : f32
    %div3A_7 = vector.broadcast %div3A : f32 to vector<1024x16xf32>
    %div3A_8 = arith.divf %neg3A_6, %div3A_7 : vector<1024x16xf32>
    %reduce_max3A = arith.constant dense<0xFF800000> : vector<1024xf32>
    %reduce_max3A_9 = vector.multi_reduction <maximumf>, %div3A_8, %reduce_max3A [1] : vector<1024x16xf32> to vector<1024xf32>
    %broadcast_in_dim3A = vector.shape_cast %reduce_max3A_9 : vector<1024xf32> to vector<1024x1xf32>
    %sub3A = vector.broadcast %broadcast_in_dim3A : vector<1024x1xf32> to vector<1024x16xf32>
    %sub3A_10 = arith.subf %div3A_8, %sub3A : vector<1024x16xf32>
    %exp3A = math.exp %sub3A_10 : vector<1024x16xf32>
    %reduce_sum3A = arith.constant dense<0.000000e+00> : vector<1024xf32>
    %reduce_sum3A_11 = vector.multi_reduction <add>, %exp3A, %reduce_sum3A [1] : vector<1024x16xf32> to vector<1024xf32>
    %broadcast_in_dim3A_12 = vector.shape_cast %reduce_sum3A_11 : vector<1024xf32> to vector<1024x1xf32>
    %div3A_13 = vector.broadcast %broadcast_in_dim3A_12 : vector<1024x1xf32> to vector<1024x16xf32>
    %div3A_14 = arith.divf %exp3A, %div3A_13 : vector<1024x16xf32>
    %get3A_15 = arith.constant 0 : index
    %get3A_16 = arith.constant 0 : index
    %get3A_17 = vector.load %arg2[%get3A_15, %get3A_16] : memref<1024x128xf32, #tpu.memory_space<vmem>>, vector<1024x128xf32>
    %slice3A = vector.extract_strided_slice %get3A_17 {offsets = [0, 0], sizes = [1024, 16], strides = [1, 1]} : vector<1024x128xf32> to vector<1024x16xf32>
    %slice3A_18 = vector.extract_strided_slice %get3A_17 {offsets = [0, 16], sizes = [1024, 16], strides = [1, 1]} : vector<1024x128xf32> to vector<1024x16xf32>
    %broadcast_in_dim3A_19 = arith.constant 0.000000e+00 : f32
    %broadcast_in_dim3A_20 = vector.broadcast %broadcast_in_dim3A_19 : f32 to vector<1024x16xf32>
    %slice3A_21 = vector.extract_strided_slice %get3A_4 {offsets = [0, 0], sizes = [1024, 1], strides = [1, 1]} : vector<1024x16xf32> to vector<1024x1xf32>
    %eq3A = vector.broadcast %slice3A_21 : vector<1024x1xf32> to vector<1024x16xf32>
    %eq3A_22 = arith.cmpf oeq, %slice3A_18, %eq3A : vector<1024x16xf32>
    %convert_element_type3A = arith.extui %eq3A_22 : vector<1024x16xi1> to vector<1024x16xi32>
    %convert_element_type3A_23 = arith.sitofp %convert_element_type3A : vector<1024x16xi32> to vector<1024x16xf32>
    %slice3A_24 = vector.extract_strided_slice %div3A_14 {offsets = [0, 0], sizes = [1024, 1], strides = [1, 1]} : vector<1024x16xf32> to vector<1024x1xf32>
    %mul3A = vector.broadcast %slice3A_24 : vector<1024x1xf32> to vector<1024x16xf32>
    %mul3A_25 = arith.mulf %convert_element_type3A_23, %mul3A : vector<1024x16xf32>
    %add3A = arith.addf %broadcast_in_dim3A_20, %mul3A_25 : vector<1024x16xf32>
    %convert_element_type3A_26 = arith.extui %eq3A_22 : vector<1024x16xi1> to vector<1024x16xi32>
    %convert_element_type3A_27 = arith.sitofp %convert_element_type3A_26 : vector<1024x16xi32> to vector<1024x16xf32>
    %reduce_max3A_28 = arith.constant dense<0xFF800000> : vector<1024xf32>
    %reduce_max3A_29 = vector.multi_reduction <maximumf>, %convert_element_type3A_27, %reduce_max3A_28 [1] : vector<1024x16xf32> to vector<1024xf32>
    %broadcast_in_dim3A_30 = vector.shape_cast %reduce_max3A_29 : vector<1024xf32> to vector<1024x1xf32>
    %slice3A_31 = vector.extract_strided_slice %get3A_4 {offsets = [0, 1], sizes = [1024, 1], strides = [1, 1]} : vector<1024x16xf32> to vector<1024x1xf32>
    %eq3A_32 = vector.broadcast %slice3A_31 : vector<1024x1xf32> to vector<1024x16xf32>
    %eq3A_33 = arith.cmpf oeq, %slice3A_18, %eq3A_32 : vector<1024x16xf32>
    %convert_element_type3A_34 = arith.extui %eq3A_33 : vector<1024x16xi1> to vector<1024x16xi32>
    %convert_element_type3A_35 = arith.sitofp %convert_element_type3A_34 : vector<1024x16xi32> to vector<1024x16xf32>
    %slice3A_36 = vector.extract_strided_slice %div3A_14 {offsets = [0, 1], sizes = [1024, 1], strides = [1, 1]} : vector<1024x16xf32> to vector<1024x1xf32>
    %mul3A_37 = vector.broadcast %slice3A_36 : vector<1024x1xf32> to vector<1024x16xf32>
    %mul3A_38 = arith.mulf %convert_element_type3A_35, %mul3A_37 : vector<1024x16xf32>
    %add3A_39 = arith.addf %add3A, %mul3A_38 : vector<1024x16xf32>
    %convert_element_type3A_40 = arith.extui %eq3A_33 : vector<1024x16xi1> to vector<1024x16xi32>
    %convert_element_type3A_41 = arith.sitofp %convert_element_type3A_40 : vector<1024x16xi32> to vector<1024x16xf32>
    %reduce_max3A_42 = arith.constant dense<0xFF800000> : vector<1024xf32>
    %reduce_max3A_43 = vector.multi_reduction <maximumf>, %convert_element_type3A_41, %reduce_max3A_42 [1] : vector<1024x16xf32> to vector<1024xf32>
    %broadcast_in_dim3A_44 = vector.shape_cast %reduce_max3A_43 : vector<1024xf32> to vector<1024x1xf32>
    %slice3A_45 = vector.extract_strided_slice %get3A_4 {offsets = [0, 2], sizes = [1024, 1], strides = [1, 1]} : vector<1024x16xf32> to vector<1024x1xf32>
    %eq3A_46 = vector.broadcast %slice3A_45 : vector<1024x1xf32> to vector<1024x16xf32>
    %eq3A_47 = arith.cmpf oeq, %slice3A_18, %eq3A_46 : vector<1024x16xf32>
    %convert_element_type3A_48 = arith.extui %eq3A_47 : vector<1024x16xi1> to vector<1024x16xi32>
    %convert_element_type3A_49 = arith.sitofp %convert_element_type3A_48 : vector<1024x16xi32> to vector<1024x16xf32>
    %slice3A_50 = vector.extract_strided_slice %div3A_14 {offsets = [0, 2], sizes = [1024, 1], strides = [1, 1]} : vector<1024x16xf32> to vector<1024x1xf32>
    %mul3A_51 = vector.broadcast %slice3A_50 : vector<1024x1xf32> to vector<1024x16xf32>
    %mul3A_52 = arith.mulf %convert_element_type3A_49, %mul3A_51 : vector<1024x16xf32>
    %add3A_53 = arith.addf %add3A_39, %mul3A_52 : vector<1024x16xf32>
    %convert_element_type3A_54 = arith.extui %eq3A_47 : vector<1024x16xi1> to vector<1024x16xi32>
    %convert_element_type3A_55 = arith.sitofp %convert_element_type3A_54 : vector<1024x16xi32> to vector<1024x16xf32>
    %reduce_max3A_56 = arith.constant dense<0xFF800000> : vector<1024xf32>
    %reduce_max3A_57 = vector.multi_reduction <maximumf>, %convert_element_type3A_55, %reduce_max3A_56 [1] : vector<1024x16xf32> to vector<1024xf32>
    %broadcast_in_dim3A_58 = vector.shape_cast %reduce_max3A_57 : vector<1024xf32> to vector<1024x1xf32>
    %slice3A_59 = vector.extract_strided_slice %get3A_4 {offsets = [0, 3], sizes = [1024, 1], strides = [1, 1]} : vector<1024x16xf32> to vector<1024x1xf32>
    %eq3A_60 = vector.broadcast %slice3A_59 : vector<1024x1xf32> to vector<1024x16xf32>
    %eq3A_61 = arith.cmpf oeq, %slice3A_18, %eq3A_60 : vector<1024x16xf32>
    %convert_element_type3A_62 = arith.extui %eq3A_61 : vector<1024x16xi1> to vector<1024x16xi32>
    %convert_element_type3A_63 = arith.sitofp %convert_element_type3A_62 : vector<1024x16xi32> to vector<1024x16xf32>
    %slice3A_64 = vector.extract_strided_slice %div3A_14 {offsets = [0, 3], sizes = [1024, 1], strides = [1, 1]} : vector<1024x16xf32> to vector<1024x1xf32>
    %mul3A_65 = vector.broadcast %slice3A_64 : vector<1024x1xf32> to vector<1024x16xf32>
    %mul3A_66 = arith.mulf %convert_element_type3A_63, %mul3A_65 : vector<1024x16xf32>
    %add3A_67 = arith.addf %add3A_53, %mul3A_66 : vector<1024x16xf32>
    %convert_element_type3A_68 = arith.extui %eq3A_61 : vector<1024x16xi1> to vector<1024x16xi32>
    %convert_element_type3A_69 = arith.sitofp %convert_element_type3A_68 : vector<1024x16xi32> to vector<1024x16xf32>
    %reduce_max3A_70 = arith.constant dense<0xFF800000> : vector<1024xf32>
    %reduce_max3A_71 = vector.multi_reduction <maximumf>, %convert_element_type3A_69, %reduce_max3A_70 [1] : vector<1024x16xf32> to vector<1024xf32>
    %broadcast_in_dim3A_72 = vector.shape_cast %reduce_max3A_71 : vector<1024xf32> to vector<1024x1xf32>
    %slice3A_73 = vector.extract_strided_slice %get3A_4 {offsets = [0, 4], sizes = [1024, 1], strides = [1, 1]} : vector<1024x16xf32> to vector<1024x1xf32>
    %eq3A_74 = vector.broadcast %slice3A_73 : vector<1024x1xf32> to vector<1024x16xf32>
    %eq3A_75 = arith.cmpf oeq, %slice3A_18, %eq3A_74 : vector<1024x16xf32>
    %convert_element_type3A_76 = arith.extui %eq3A_75 : vector<1024x16xi1> to vector<1024x16xi32>
    %convert_element_type3A_77 = arith.sitofp %convert_element_type3A_76 : vector<1024x16xi32> to vector<1024x16xf32>
    %slice3A_78 = vector.extract_strided_slice %div3A_14 {offsets = [0, 4], sizes = [1024, 1], strides = [1, 1]} : vector<1024x16xf32> to vector<1024x1xf32>
    %mul3A_79 = vector.broadcast %slice3A_78 : vector<1024x1xf32> to vector<1024x16xf32>
    %mul3A_80 = arith.mulf %convert_element_type3A_77, %mul3A_79 : vector<1024x16xf32>
    %add3A_81 = arith.addf %add3A_67, %mul3A_80 : vector<1024x16xf32>
    %convert_element_type3A_82 = arith.extui %eq3A_75 : vector<1024x16xi1> to vector<1024x16xi32>
    %convert_element_type3A_83 = arith.sitofp %convert_element_type3A_82 : vector<1024x16xi32> to vector<1024x16xf32>
    %reduce_max3A_84 = arith.constant dense<0xFF800000> : vector<1024xf32>
    %reduce_max3A_85 = vector.multi_reduction <maximumf>, %convert_element_type3A_83, %reduce_max3A_84 [1] : vector<1024x16xf32> to vector<1024xf32>
    %broadcast_in_dim3A_86 = vector.shape_cast %reduce_max3A_85 : vector<1024xf32> to vector<1024x1xf32>
    %slice3A_87 = vector.extract_strided_slice %get3A_4 {offsets = [0, 5], sizes = [1024, 1], strides = [1, 1]} : vector<1024x16xf32> to vector<1024x1xf32>
    %eq3A_88 = vector.broadcast %slice3A_87 : vector<1024x1xf32> to vector<1024x16xf32>
    %eq3A_89 = arith.cmpf oeq, %slice3A_18, %eq3A_88 : vector<1024x16xf32>
    %convert_element_type3A_90 = arith.extui %eq3A_89 : vector<1024x16xi1> to vector<1024x16xi32>
    %convert_element_type3A_91 = arith.sitofp %convert_element_type3A_90 : vector<1024x16xi32> to vector<1024x16xf32>
    %slice3A_92 = vector.extract_strided_slice %div3A_14 {offsets = [0, 5], sizes = [1024, 1], strides = [1, 1]} : vector<1024x16xf32> to vector<1024x1xf32>
    %mul3A_93 = vector.broadcast %slice3A_92 : vector<1024x1xf32> to vector<1024x16xf32>
    %mul3A_94 = arith.mulf %convert_element_type3A_91, %mul3A_93 : vector<1024x16xf32>
    %add3A_95 = arith.addf %add3A_81, %mul3A_94 : vector<1024x16xf32>
    %convert_element_type3A_96 = arith.extui %eq3A_89 : vector<1024x16xi1> to vector<1024x16xi32>
    %convert_element_type3A_97 = arith.sitofp %convert_element_type3A_96 : vector<1024x16xi32> to vector<1024x16xf32>
    %reduce_max3A_98 = arith.constant dense<0xFF800000> : vector<1024xf32>
    %reduce_max3A_99 = vector.multi_reduction <maximumf>, %convert_element_type3A_97, %reduce_max3A_98 [1] : vector<1024x16xf32> to vector<1024xf32>
    %broadcast_in_dim3A_100 = vector.shape_cast %reduce_max3A_99 : vector<1024xf32> to vector<1024x1xf32>
    %slice3A_101 = vector.extract_strided_slice %get3A_4 {offsets = [0, 6], sizes = [1024, 1], strides = [1, 1]} : vector<1024x16xf32> to vector<1024x1xf32>
    %eq3A_102 = vector.broadcast %slice3A_101 : vector<1024x1xf32> to vector<1024x16xf32>
    %eq3A_103 = arith.cmpf oeq, %slice3A_18, %eq3A_102 : vector<1024x16xf32>
    %convert_element_type3A_104 = arith.extui %eq3A_103 : vector<1024x16xi1> to vector<1024x16xi32>
    %convert_element_type3A_105 = arith.sitofp %convert_element_type3A_104 : vector<1024x16xi32> to vector<1024x16xf32>
    %slice3A_106 = vector.extract_strided_slice %div3A_14 {offsets = [0, 6], sizes = [1024, 1], strides = [1, 1]} : vector<1024x16xf32> to vector<1024x1xf32>
    %mul3A_107 = vector.broadcast %slice3A_106 : vector<1024x1xf32> to vector<1024x16xf32>
    %mul3A_108 = arith.mulf %convert_element_type3A_105, %mul3A_107 : vector<1024x16xf32>
    %add3A_109 = arith.addf %add3A_95, %mul3A_108 : vector<1024x16xf32>
    %convert_element_type3A_110 = arith.extui %eq3A_103 : vector<1024x16xi1> to vector<1024x16xi32>
    %convert_element_type3A_111 = arith.sitofp %convert_element_type3A_110 : vector<1024x16xi32> to vector<1024x16xf32>
    %reduce_max3A_112 = arith.constant dense<0xFF800000> : vector<1024xf32>
    %reduce_max3A_113 = vector.multi_reduction <maximumf>, %convert_element_type3A_111, %reduce_max3A_112 [1] : vector<1024x16xf32> to vector<1024xf32>
    %broadcast_in_dim3A_114 = vector.shape_cast %reduce_max3A_113 : vector<1024xf32> to vector<1024x1xf32>
    %slice3A_115 = vector.extract_strided_slice %get3A_4 {offsets = [0, 7], sizes = [1024, 1], strides = [1, 1]} : vector<1024x16xf32> to vector<1024x1xf32>
    %eq3A_116 = vector.broadcast %slice3A_115 : vector<1024x1xf32> to vector<1024x16xf32>
    %eq3A_117 = arith.cmpf oeq, %slice3A_18, %eq3A_116 : vector<1024x16xf32>
    %convert_element_type3A_118 = arith.extui %eq3A_117 : vector<1024x16xi1> to vector<1024x16xi32>
    %convert_element_type3A_119 = arith.sitofp %convert_element_type3A_118 : vector<1024x16xi32> to vector<1024x16xf32>
    %slice3A_120 = vector.extract_strided_slice %div3A_14 {offsets = [0, 7], sizes = [1024, 1], strides = [1, 1]} : vector<1024x16xf32> to vector<1024x1xf32>
    %mul3A_121 = vector.broadcast %slice3A_120 : vector<1024x1xf32> to vector<1024x16xf32>
    %mul3A_122 = arith.mulf %convert_element_type3A_119, %mul3A_121 : vector<1024x16xf32>
    %add3A_123 = arith.addf %add3A_109, %mul3A_122 : vector<1024x16xf32>
    %convert_element_type3A_124 = arith.extui %eq3A_117 : vector<1024x16xi1> to vector<1024x16xi32>
    %convert_element_type3A_125 = arith.sitofp %convert_element_type3A_124 : vector<1024x16xi32> to vector<1024x16xf32>
    %reduce_max3A_126 = arith.constant dense<0xFF800000> : vector<1024xf32>
    %reduce_max3A_127 = vector.multi_reduction <maximumf>, %convert_element_type3A_125, %reduce_max3A_126 [1] : vector<1024x16xf32> to vector<1024xf32>
    %broadcast_in_dim3A_128 = vector.shape_cast %reduce_max3A_127 : vector<1024xf32> to vector<1024x1xf32>
    %slice3A_129 = vector.extract_strided_slice %get3A_4 {offsets = [0, 8], sizes = [1024, 1], strides = [1, 1]} : vector<1024x16xf32> to vector<1024x1xf32>
    %eq3A_130 = vector.broadcast %slice3A_129 : vector<1024x1xf32> to vector<1024x16xf32>
    %eq3A_131 = arith.cmpf oeq, %slice3A_18, %eq3A_130 : vector<1024x16xf32>
    %convert_element_type3A_132 = arith.extui %eq3A_131 : vector<1024x16xi1> to vector<1024x16xi32>
    %convert_element_type3A_133 = arith.sitofp %convert_element_type3A_132 : vector<1024x16xi32> to vector<1024x16xf32>
    %slice3A_134 = vector.extract_strided_slice %div3A_14 {offsets = [0, 8], sizes = [1024, 1], strides = [1, 1]} : vector<1024x16xf32> to vector<1024x1xf32>
    %mul3A_135 = vector.broadcast %slice3A_134 : vector<1024x1xf32> to vector<1024x16xf32>
    %mul3A_136 = arith.mulf %convert_element_type3A_133, %mul3A_135 : vector<1024x16xf32>
    %add3A_137 = arith.addf %add3A_123, %mul3A_136 : vector<1024x16xf32>
    %convert_element_type3A_138 = arith.extui %eq3A_131 : vector<1024x16xi1> to vector<1024x16xi32>
    %convert_element_type3A_139 = arith.sitofp %convert_element_type3A_138 : vector<1024x16xi32> to vector<1024x16xf32>
    %reduce_max3A_140 = arith.constant dense<0xFF800000> : vector<1024xf32>
    %reduce_max3A_141 = vector.multi_reduction <maximumf>, %convert_element_type3A_139, %reduce_max3A_140 [1] : vector<1024x16xf32> to vector<1024xf32>
    %broadcast_in_dim3A_142 = vector.shape_cast %reduce_max3A_141 : vector<1024xf32> to vector<1024x1xf32>
    %slice3A_143 = vector.extract_strided_slice %get3A_4 {offsets = [0, 9], sizes = [1024, 1], strides = [1, 1]} : vector<1024x16xf32> to vector<1024x1xf32>
    %eq3A_144 = vector.broadcast %slice3A_143 : vector<1024x1xf32> to vector<1024x16xf32>
    %eq3A_145 = arith.cmpf oeq, %slice3A_18, %eq3A_144 : vector<1024x16xf32>
    %convert_element_type3A_146 = arith.extui %eq3A_145 : vector<1024x16xi1> to vector<1024x16xi32>
    %convert_element_type3A_147 = arith.sitofp %convert_element_type3A_146 : vector<1024x16xi32> to vector<1024x16xf32>
    %slice3A_148 = vector.extract_strided_slice %div3A_14 {offsets = [0, 9], sizes = [1024, 1], strides = [1, 1]} : vector<1024x16xf32> to vector<1024x1xf32>
    %mul3A_149 = vector.broadcast %slice3A_148 : vector<1024x1xf32> to vector<1024x16xf32>
    %mul3A_150 = arith.mulf %convert_element_type3A_147, %mul3A_149 : vector<1024x16xf32>
    %add3A_151 = arith.addf %add3A_137, %mul3A_150 : vector<1024x16xf32>
    %convert_element_type3A_152 = arith.extui %eq3A_145 : vector<1024x16xi1> to vector<1024x16xi32>
    %convert_element_type3A_153 = arith.sitofp %convert_element_type3A_152 : vector<1024x16xi32> to vector<1024x16xf32>
    %reduce_max3A_154 = arith.constant dense<0xFF800000> : vector<1024xf32>
    %reduce_max3A_155 = vector.multi_reduction <maximumf>, %convert_element_type3A_153, %reduce_max3A_154 [1] : vector<1024x16xf32> to vector<1024xf32>
    %broadcast_in_dim3A_156 = vector.shape_cast %reduce_max3A_155 : vector<1024xf32> to vector<1024x1xf32>
    %slice3A_157 = vector.extract_strided_slice %get3A_4 {offsets = [0, 10], sizes = [1024, 1], strides = [1, 1]} : vector<1024x16xf32> to vector<1024x1xf32>
    %eq3A_158 = vector.broadcast %slice3A_157 : vector<1024x1xf32> to vector<1024x16xf32>
    %eq3A_159 = arith.cmpf oeq, %slice3A_18, %eq3A_158 : vector<1024x16xf32>
    %convert_element_type3A_160 = arith.extui %eq3A_159 : vector<1024x16xi1> to vector<1024x16xi32>
    %convert_element_type3A_161 = arith.sitofp %convert_element_type3A_160 : vector<1024x16xi32> to vector<1024x16xf32>
    %slice3A_162 = vector.extract_strided_slice %div3A_14 {offsets = [0, 10], sizes = [1024, 1], strides = [1, 1]} : vector<1024x16xf32> to vector<1024x1xf32>
    %mul3A_163 = vector.broadcast %slice3A_162 : vector<1024x1xf32> to vector<1024x16xf32>
    %mul3A_164 = arith.mulf %convert_element_type3A_161, %mul3A_163 : vector<1024x16xf32>
    %add3A_165 = arith.addf %add3A_151, %mul3A_164 : vector<1024x16xf32>
    %convert_element_type3A_166 = arith.extui %eq3A_159 : vector<1024x16xi1> to vector<1024x16xi32>
    %convert_element_type3A_167 = arith.sitofp %convert_element_type3A_166 : vector<1024x16xi32> to vector<1024x16xf32>
    %reduce_max3A_168 = arith.constant dense<0xFF800000> : vector<1024xf32>
    %reduce_max3A_169 = vector.multi_reduction <maximumf>, %convert_element_type3A_167, %reduce_max3A_168 [1] : vector<1024x16xf32> to vector<1024xf32>
    %broadcast_in_dim3A_170 = vector.shape_cast %reduce_max3A_169 : vector<1024xf32> to vector<1024x1xf32>
    %slice3A_171 = vector.extract_strided_slice %get3A_4 {offsets = [0, 11], sizes = [1024, 1], strides = [1, 1]} : vector<1024x16xf32> to vector<1024x1xf32>
    %eq3A_172 = vector.broadcast %slice3A_171 : vector<1024x1xf32> to vector<1024x16xf32>
    %eq3A_173 = arith.cmpf oeq, %slice3A_18, %eq3A_172 : vector<1024x16xf32>
    %convert_element_type3A_174 = arith.extui %eq3A_173 : vector<1024x16xi1> to vector<1024x16xi32>
    %convert_element_type3A_175 = arith.sitofp %convert_element_type3A_174 : vector<1024x16xi32> to vector<1024x16xf32>
    %slice3A_176 = vector.extract_strided_slice %div3A_14 {offsets = [0, 11], sizes = [1024, 1], strides = [1, 1]} : vector<1024x16xf32> to vector<1024x1xf32>
    %mul3A_177 = vector.broadcast %slice3A_176 : vector<1024x1xf32> to vector<1024x16xf32>
    %mul3A_178 = arith.mulf %convert_element_type3A_175, %mul3A_177 : vector<1024x16xf32>
    %add3A_179 = arith.addf %add3A_165, %mul3A_178 : vector<1024x16xf32>
    %convert_element_type3A_180 = arith.extui %eq3A_173 : vector<1024x16xi1> to vector<1024x16xi32>
    %convert_element_type3A_181 = arith.sitofp %convert_element_type3A_180 : vector<1024x16xi32> to vector<1024x16xf32>
    %reduce_max3A_182 = arith.constant dense<0xFF800000> : vector<1024xf32>
    %reduce_max3A_183 = vector.multi_reduction <maximumf>, %convert_element_type3A_181, %reduce_max3A_182 [1] : vector<1024x16xf32> to vector<1024xf32>
    %broadcast_in_dim3A_184 = vector.shape_cast %reduce_max3A_183 : vector<1024xf32> to vector<1024x1xf32>
    %slice3A_185 = vector.extract_strided_slice %get3A_4 {offsets = [0, 12], sizes = [1024, 1], strides = [1, 1]} : vector<1024x16xf32> to vector<1024x1xf32>
    %eq3A_186 = vector.broadcast %slice3A_185 : vector<1024x1xf32> to vector<1024x16xf32>
    %eq3A_187 = arith.cmpf oeq, %slice3A_18, %eq3A_186 : vector<1024x16xf32>
    %convert_element_type3A_188 = arith.extui %eq3A_187 : vector<1024x16xi1> to vector<1024x16xi32>
    %convert_element_type3A_189 = arith.sitofp %convert_element_type3A_188 : vector<1024x16xi32> to vector<1024x16xf32>
    %slice3A_190 = vector.extract_strided_slice %div3A_14 {offsets = [0, 12], sizes = [1024, 1], strides = [1, 1]} : vector<1024x16xf32> to vector<1024x1xf32>
    %mul3A_191 = vector.broadcast %slice3A_190 : vector<1024x1xf32> to vector<1024x16xf32>
    %mul3A_192 = arith.mulf %convert_element_type3A_189, %mul3A_191 : vector<1024x16xf32>
    %add3A_193 = arith.addf %add3A_179, %mul3A_192 : vector<1024x16xf32>
    %convert_element_type3A_194 = arith.extui %eq3A_187 : vector<1024x16xi1> to vector<1024x16xi32>
    %convert_element_type3A_195 = arith.sitofp %convert_element_type3A_194 : vector<1024x16xi32> to vector<1024x16xf32>
    %reduce_max3A_196 = arith.constant dense<0xFF800000> : vector<1024xf32>
    %reduce_max3A_197 = vector.multi_reduction <maximumf>, %convert_element_type3A_195, %reduce_max3A_196 [1] : vector<1024x16xf32> to vector<1024xf32>
    %broadcast_in_dim3A_198 = vector.shape_cast %reduce_max3A_197 : vector<1024xf32> to vector<1024x1xf32>
    %slice3A_199 = vector.extract_strided_slice %get3A_4 {offsets = [0, 13], sizes = [1024, 1], strides = [1, 1]} : vector<1024x16xf32> to vector<1024x1xf32>
    %eq3A_200 = vector.broadcast %slice3A_199 : vector<1024x1xf32> to vector<1024x16xf32>
    %eq3A_201 = arith.cmpf oeq, %slice3A_18, %eq3A_200 : vector<1024x16xf32>
    %convert_element_type3A_202 = arith.extui %eq3A_201 : vector<1024x16xi1> to vector<1024x16xi32>
    %convert_element_type3A_203 = arith.sitofp %convert_element_type3A_202 : vector<1024x16xi32> to vector<1024x16xf32>
    %slice3A_204 = vector.extract_strided_slice %div3A_14 {offsets = [0, 13], sizes = [1024, 1], strides = [1, 1]} : vector<1024x16xf32> to vector<1024x1xf32>
    %mul3A_205 = vector.broadcast %slice3A_204 : vector<1024x1xf32> to vector<1024x16xf32>
    %mul3A_206 = arith.mulf %convert_element_type3A_203, %mul3A_205 : vector<1024x16xf32>
    %add3A_207 = arith.addf %add3A_193, %mul3A_206 : vector<1024x16xf32>
    %convert_element_type3A_208 = arith.extui %eq3A_201 : vector<1024x16xi1> to vector<1024x16xi32>
    %convert_element_type3A_209 = arith.sitofp %convert_element_type3A_208 : vector<1024x16xi32> to vector<1024x16xf32>
    %reduce_max3A_210 = arith.constant dense<0xFF800000> : vector<1024xf32>
    %reduce_max3A_211 = vector.multi_reduction <maximumf>, %convert_element_type3A_209, %reduce_max3A_210 [1] : vector<1024x16xf32> to vector<1024xf32>
    %broadcast_in_dim3A_212 = vector.shape_cast %reduce_max3A_211 : vector<1024xf32> to vector<1024x1xf32>
    %slice3A_213 = vector.extract_strided_slice %get3A_4 {offsets = [0, 14], sizes = [1024, 1], strides = [1, 1]} : vector<1024x16xf32> to vector<1024x1xf32>
    %eq3A_214 = vector.broadcast %slice3A_213 : vector<1024x1xf32> to vector<1024x16xf32>
    %eq3A_215 = arith.cmpf oeq, %slice3A_18, %eq3A_214 : vector<1024x16xf32>
    %convert_element_type3A_216 = arith.extui %eq3A_215 : vector<1024x16xi1> to vector<1024x16xi32>
    %convert_element_type3A_217 = arith.sitofp %convert_element_type3A_216 : vector<1024x16xi32> to vector<1024x16xf32>
    %slice3A_218 = vector.extract_strided_slice %div3A_14 {offsets = [0, 14], sizes = [1024, 1], strides = [1, 1]} : vector<1024x16xf32> to vector<1024x1xf32>
    %mul3A_219 = vector.broadcast %slice3A_218 : vector<1024x1xf32> to vector<1024x16xf32>
    %mul3A_220 = arith.mulf %convert_element_type3A_217, %mul3A_219 : vector<1024x16xf32>
    %add3A_221 = arith.addf %add3A_207, %mul3A_220 : vector<1024x16xf32>
    %convert_element_type3A_222 = arith.extui %eq3A_215 : vector<1024x16xi1> to vector<1024x16xi32>
    %convert_element_type3A_223 = arith.sitofp %convert_element_type3A_222 : vector<1024x16xi32> to vector<1024x16xf32>
    %reduce_max3A_224 = arith.constant dense<0xFF800000> : vector<1024xf32>
    %reduce_max3A_225 = vector.multi_reduction <maximumf>, %convert_element_type3A_223, %reduce_max3A_224 [1] : vector<1024x16xf32> to vector<1024xf32>
    %broadcast_in_dim3A_226 = vector.shape_cast %reduce_max3A_225 : vector<1024xf32> to vector<1024x1xf32>
    %slice3A_227 = vector.extract_strided_slice %get3A_4 {offsets = [0, 15], sizes = [1024, 1], strides = [1, 1]} : vector<1024x16xf32> to vector<1024x1xf32>
    %eq3A_228 = vector.broadcast %slice3A_227 : vector<1024x1xf32> to vector<1024x16xf32>
    %eq3A_229 = arith.cmpf oeq, %slice3A_18, %eq3A_228 : vector<1024x16xf32>
    %convert_element_type3A_230 = arith.extui %eq3A_229 : vector<1024x16xi1> to vector<1024x16xi32>
    %convert_element_type3A_231 = arith.sitofp %convert_element_type3A_230 : vector<1024x16xi32> to vector<1024x16xf32>
    %slice3A_232 = vector.extract_strided_slice %div3A_14 {offsets = [0, 15], sizes = [1024, 1], strides = [1, 1]} : vector<1024x16xf32> to vector<1024x1xf32>
    %mul3A_233 = vector.broadcast %slice3A_232 : vector<1024x1xf32> to vector<1024x16xf32>
    %mul3A_234 = arith.mulf %convert_element_type3A_231, %mul3A_233 : vector<1024x16xf32>
    %add3A_235 = arith.addf %add3A_221, %mul3A_234 : vector<1024x16xf32>
    %convert_element_type3A_236 = arith.extui %eq3A_229 : vector<1024x16xi1> to vector<1024x16xi32>
    %convert_element_type3A_237 = arith.sitofp %convert_element_type3A_236 : vector<1024x16xi32> to vector<1024x16xf32>
    %reduce_max3A_238 = arith.constant dense<0xFF800000> : vector<1024xf32>
    %reduce_max3A_239 = vector.multi_reduction <maximumf>, %convert_element_type3A_237, %reduce_max3A_238 [1] : vector<1024x16xf32> to vector<1024xf32>
    %broadcast_in_dim3A_240 = vector.shape_cast %reduce_max3A_239 : vector<1024xf32> to vector<1024x1xf32>
    %concatenate3A = tpu.concatenate %broadcast_in_dim3A_30, %broadcast_in_dim3A_44, %broadcast_in_dim3A_58, %broadcast_in_dim3A_72, %broadcast_in_dim3A_86, %broadcast_in_dim3A_100, %broadcast_in_dim3A_114, %broadcast_in_dim3A_128, %broadcast_in_dim3A_142, %broadcast_in_dim3A_156, %broadcast_in_dim3A_170, %broadcast_in_dim3A_184, %broadcast_in_dim3A_198, %broadcast_in_dim3A_212, %broadcast_in_dim3A_226, %broadcast_in_dim3A_240 in 1 : vector<1024x1xf32>, vector<1024x1xf32>, vector<1024x1xf32>, vector<1024x1xf32>, vector<1024x1xf32>, vector<1024x1xf32>, vector<1024x1xf32>, vector<1024x1xf32>, vector<1024x1xf32>, vector<1024x1xf32>, vector<1024x1xf32>, vector<1024x1xf32>, vector<1024x1xf32>, vector<1024x1xf32>, vector<1024x1xf32>, vector<1024x1xf32> -> vector<1024x16xf32>
    %sub3A_241 = arith.constant 1.000000e+00 : f32
    %sub3A_242 = vector.broadcast %sub3A_241 : f32 to vector<1024x16xf32>
    %sub3A_243 = arith.subf %sub3A_242, %concatenate3A : vector<1024x16xf32>
    %max3A = arith.constant 9.99999993E-9 : f32
    %max3A_244 = vector.broadcast %max3A : f32 to vector<1024x16xf32>
    %max3A_245 = arith.maximumf %slice3A, %max3A_244 : vector<1024x16xf32>
    %max3A_246 = arith.constant 9.99999993E-9 : f32
    %max3A_247 = vector.broadcast %max3A_246 : f32 to vector<1024x16xf32>
    %max3A_248 = arith.maximumf %add3A_235, %max3A_247 : vector<1024x16xf32>
    %mul3A_249 = arith.constant 9.99999993E-9 : f32
    %mul3A_250 = vector.broadcast %mul3A_249 : f32 to vector<1024x16xf32>
    %mul3A_251 = arith.mulf %mul3A_250, %sub3A_243 : vector<1024x16xf32>
    %max3A_252 = arith.constant 9.99999993E-9 : f32
    %max3A_253 = vector.broadcast %max3A_252 : f32 to vector<1024x16xf32>
    %max3A_254 = arith.maximumf %div3A_14, %max3A_253 : vector<1024x16xf32>
    %mul3A_255 = arith.mulf %max3A_254, %sub3A_243 : vector<1024x16xf32>
    %reduce_sum3A_256 = arith.constant dense<0.000000e+00> : vector<1024xf32>
    %reduce_sum3A_257 = vector.multi_reduction <add>, %max3A_245, %reduce_sum3A_256 [1] : vector<1024x16xf32> to vector<1024xf32>
    %broadcast_in_dim3A_258 = vector.shape_cast %reduce_sum3A_257 : vector<1024xf32> to vector<1024x1xf32>
    %reduce_sum3A_259 = arith.constant dense<0.000000e+00> : vector<1024xf32>
    %reduce_sum3A_260 = vector.multi_reduction <add>, %mul3A_251, %reduce_sum3A_259 [1] : vector<1024x16xf32> to vector<1024xf32>
    %broadcast_in_dim3A_261 = vector.shape_cast %reduce_sum3A_260 : vector<1024xf32> to vector<1024x1xf32>
    %add3A_262 = arith.addf %broadcast_in_dim3A_258, %broadcast_in_dim3A_261 : vector<1024x1xf32>
    %reduce_sum3A_263 = arith.constant dense<0.000000e+00> : vector<1024xf32>
    %reduce_sum3A_264 = vector.multi_reduction <add>, %max3A_248, %reduce_sum3A_263 [1] : vector<1024x16xf32> to vector<1024xf32>
    %broadcast_in_dim3A_265 = vector.shape_cast %reduce_sum3A_264 : vector<1024xf32> to vector<1024x1xf32>
    %reduce_sum3A_266 = arith.constant dense<0.000000e+00> : vector<1024xf32>
    %reduce_sum3A_267 = vector.multi_reduction <add>, %mul3A_255, %reduce_sum3A_266 [1] : vector<1024x16xf32> to vector<1024xf32>
    %broadcast_in_dim3A_268 = vector.shape_cast %reduce_sum3A_267 : vector<1024xf32> to vector<1024x1xf32>
    %add3A_269 = arith.addf %broadcast_in_dim3A_265, %broadcast_in_dim3A_268 : vector<1024x1xf32>
    %div3A_270 = vector.broadcast %add3A_262 : vector<1024x1xf32> to vector<1024x16xf32>
    %div3A_271 = arith.divf %max3A_245, %div3A_270 : vector<1024x16xf32>
    %div3A_272 = vector.broadcast %add3A_262 : vector<1024x1xf32> to vector<1024x16xf32>
    %div3A_273 = arith.divf %max3A_245, %div3A_272 : vector<1024x16xf32>
    %log3A = math.log %div3A_273 : vector<1024x16xf32>
    %div3A_274 = vector.broadcast %add3A_269 : vector<1024x1xf32> to vector<1024x16xf32>
    %div3A_275 = arith.divf %max3A_248, %div3A_274 : vector<1024x16xf32>
    %log3A_276 = math.log %div3A_275 : vector<1024x16xf32>
    %sub3A_277 = arith.subf %log3A, %log3A_276 : vector<1024x16xf32>
    %mul3A_278 = arith.mulf %div3A_271, %sub3A_277 : vector<1024x16xf32>
    %div3A_279 = arith.constant 9.99999993E-9 : f32
    %div3A_280 = vector.broadcast %div3A_279 : f32 to vector<1024x1xf32>
    %div3A_281 = arith.divf %div3A_280, %add3A_262 : vector<1024x1xf32>
    %max3A_282 = arith.constant 9.99999993E-9 : f32
    %max3A_283 = vector.broadcast %max3A_282 : f32 to vector<1024x16xf32>
    %max3A_284 = arith.maximumf %div3A_14, %max3A_283 : vector<1024x16xf32>
    %div3A_285 = vector.broadcast %add3A_269 : vector<1024x1xf32> to vector<1024x16xf32>
    %div3A_286 = arith.divf %max3A_284, %div3A_285 : vector<1024x16xf32>
    %eq3A_287 = arith.constant 0.000000e+00 : f32
    %eq3A_288 = vector.broadcast %eq3A_287 : f32 to vector<1024x16xf32>
    %eq3A_289 = arith.cmpf oeq, %concatenate3A, %eq3A_288 : vector<1024x16xf32>
    %log3A_290 = math.log %div3A_281 : vector<1024x1xf32>
    %log3A_291 = math.log %div3A_286 : vector<1024x16xf32>
    %sub3A_292 = vector.broadcast %log3A_290 : vector<1024x1xf32> to vector<1024x16xf32>
    %sub3A_293 = arith.subf %sub3A_292, %log3A_291 : vector<1024x16xf32>
    %mul3A_294 = vector.broadcast %div3A_281 : vector<1024x1xf32> to vector<1024x16xf32>
    %mul3A_295 = arith.mulf %mul3A_294, %sub3A_293 : vector<1024x16xf32>
    %jit3A = arith.constant 0.000000e+00 : f32
    %broadcast_in_dim3A_296 = vector.broadcast %jit3A : f32 to vector<1024x16xf32>
    %select_n3A = arith.select %eq3A_289, %mul3A_295, %broadcast_in_dim3A_296 : vector<1024x16xi1>, vector<1024x16xf32>
    %reduce_sum3A_297 = arith.constant dense<0.000000e+00> : vector<1024xf32>
    %reduce_sum3A_298 = vector.multi_reduction <add>, %mul3A_278, %reduce_sum3A_297 [1] : vector<1024x16xf32> to vector<1024xf32>
    %broadcast_in_dim3A_299 = vector.shape_cast %reduce_sum3A_298 : vector<1024xf32> to vector<1024x1xf32>
    %reduce_sum3A_300 = arith.constant dense<0.000000e+00> : vector<1024xf32>
    %reduce_sum3A_301 = vector.multi_reduction <add>, %select_n3A, %reduce_sum3A_300 [1] : vector<1024x16xf32> to vector<1024xf32>
    %broadcast_in_dim3A_302 = vector.shape_cast %reduce_sum3A_301 : vector<1024xf32> to vector<1024x1xf32>
    %add3A_303 = arith.addf %broadcast_in_dim3A_299, %broadcast_in_dim3A_302 : vector<1024x1xf32>
    %reduce_sum3A_304 = vector.shape_cast %add3A_303 : vector<1024x1xf32> to vector<1x1024x1xf32>
    %reduce_sum3A_305 = arith.constant dense<0.000000e+00> : vector<1xf32>
    %reduce_sum3A_306 = vector.multi_reduction <add>, %reduce_sum3A_304, %reduce_sum3A_305 [1, 2] : vector<1x1024x1xf32> to vector<1xf32>
    %reduce_sum3A_307 = vector.shape_cast %reduce_sum3A_306 : vector<1xf32> to vector<1x1x1xf32>
    %reduce_sum3A_308 = vector.extract %reduce_sum3A_307[0, 0, 0] : f32 from vector<1x1x1xf32>
    %div3A_309 = arith.constant 1.024000e+03 : f32
    %div3A_310 = arith.divf %reduce_sum3A_308, %div3A_309 : f32
    %get3A_311 = arith.constant 0 : index
    %get3A_312 = arith.constant 0 : index
    %get3A_313 = vector.load %arg3[%get3A_311, %get3A_312] : memref<64x64xf32, #tpu.memory_space<vmem>>, vector<64x64xf32>
    %mul3A_314 = arith.mulf %get3A_313, %get3A_313 : vector<64x64xf32>
    %reduce_sum3A_315 = vector.shape_cast %mul3A_314 : vector<64x64xf32> to vector<1x64x64xf32>
    %reduce_sum3A_316 = arith.constant dense<0.000000e+00> : vector<1xf32>
    %reduce_sum3A_317 = vector.multi_reduction <add>, %reduce_sum3A_315, %reduce_sum3A_316 [1, 2] : vector<1x64x64xf32> to vector<1xf32>
    %reduce_sum3A_318 = vector.shape_cast %reduce_sum3A_317 : vector<1xf32> to vector<1x1x1xf32>
    %reduce_sum3A_319 = vector.extract %reduce_sum3A_318[0, 0, 0] : f32 from vector<1x1x1xf32>
    %get3A_320 = arith.constant 0 : index
    %get3A_321 = arith.constant 0 : index
    %get3A_322 = vector.load %arg4[%get3A_320, %get3A_321] : memref<1x64xf32, #tpu.memory_space<vmem>>, vector<1x64xf32>
    %integer_pow3A = arith.mulf %get3A_322, %get3A_322 : vector<1x64xf32>
    %reduce_sum3A_323 = vector.shape_cast %integer_pow3A : vector<1x64xf32> to vector<1x1x64xf32>
    %reduce_sum3A_324 = arith.constant dense<0.000000e+00> : vector<1xf32>
    %reduce_sum3A_325 = vector.multi_reduction <add>, %reduce_sum3A_323, %reduce_sum3A_324 [1, 2] : vector<1x1x64xf32> to vector<1xf32>
    %reduce_sum3A_326 = vector.shape_cast %reduce_sum3A_325 : vector<1xf32> to vector<1x1x1xf32>
    %reduce_sum3A_327 = vector.extract %reduce_sum3A_326[0, 0, 0] : f32 from vector<1x1x1xf32>
    %add3A_328 = arith.addf %reduce_sum3A_319, %reduce_sum3A_327 : f32
    %div3A_329 = arith.constant 2.000000e+00 : f32
    %div3A_330 = arith.divf %add3A_328, %div3A_329 : f32
    %mul3A_331 = arith.constant 1.000000e+00 : f32
    %mul3A_332 = arith.mulf %mul3A_331, %div3A_310 : f32
    %mul3A_333 = arith.constant 9.99999974E-5 : f32
    %mul3A_334 = arith.mulf %mul3A_333, %div3A_330 : f32
    %add3A_335 = arith.addf %mul3A_332, %mul3A_334 : f32
    %reshape3A = vector.broadcast %add3A_335 : f32 to vector<1x1xf32>
    %swap3A = arith.constant 0 : index
    %swap3A_336 = arith.constant 0 : index
    %swap3A_337 = vector.load %arg5[%swap3A, %swap3A_336] : memref<1x1xf32, #tpu.memory_space<vmem>>, vector<1x1xf32>
    tpu.vector_store %arg5[%swap3A, %swap3A_336], %reshape3A {strides = array<i32>} : memref<1x1xf32, #tpu.memory_space<vmem>>, vector<1x1xf32>,
    %reshape3A_338 = vector.broadcast %div3A_310 : f32 to vector<1x1xf32>
    %swap3A_339 = arith.constant 0 : index
    %swap3A_340 = arith.constant 0 : index
    %swap3A_341 = vector.load %arg6[%swap3A_339, %swap3A_340] : memref<1x1xf32, #tpu.memory_space<vmem>>, vector<1x1xf32>
    tpu.vector_store %arg6[%swap3A_339, %swap3A_340], %reshape3A_338 {strides = array<i32>} : memref<1x1xf32, #tpu.memory_space<vmem>>, vector<1x1xf32>,
    return
  }
}

</mosaic_0001>

<sc_bundles>
// kernel: kernel.5.cloned.1.call-start
scs
__scs_entry_jumppad:
0x0: {  	(pc) =	sbr.rel $0x88, $3  }
0x1: {  	(tag) =	ssettag $0x0;
	lr =	simm.s32 $0x1  }
0x2: {  	[smem:$0x3F9A] =	sst lr;
	_ =	strace $0xD0000000  }
0x3: {  	_ = 	snop  }
0x4: {  	_ = 	snop  }
0x5: {  	_ = 	snop  }
0x6: {  	_ = 	snop  }
0x7: {  	_ = 	snop  }
__scs_overlays_trampoline_lowered:
0x8: {  	[smem:$0x3FA9] =	sst s0  }
0x9: {  	[smem:$0x3FAA] =	sst s1  }
0xa: {  	[smem:$0x3FAB] =	sst s2  }
0xb: {  	[smem:$0x3FAC] =	sst s3  }
0xc: {  	[smem:$0x3FAD] =	sst s4  }
0xd: {  	[smem:$0x3FAE] =	sst s5  }
0xe: {  	[smem:$0x3FAF] =	sst s6  }
0xf: {  	[smem:$0x3FB0] =	sst s7  }
0x10: {  	[smem:$0x3FB1] =	sst s8  }
0x11: {  	[smem:$0x3FB2] =	sst s9;
	s0 =	simm.s32 @!p0 $0x0  }
0x12: {  	s1 =	sld [smem:$0x3F98];
	s0 =	simm.s32 @p0 $0x1  }
0x13: {  	[smem:$0x3FB3] =	sst s0;
	s0 =	simm.s32 @!p1 $0x0  }
0x14: {  	s2 =	sld [smem:$0x3F97];
	s0 =	simm.s32 @p1 $0x1  }
0x15: {  	[smem:$0x3FB4] =	sst s0;
	s0 =	simm.s32 @!p2 $0x0  }
0x16: {  	s3 =	sld [smem:$0x3FDB];
	s0 =	simm.s32 @p2 $0x1  }
0x17: {  	s4 =	simm.s32 $0x1BF5;
	[smem:$0x3FB6] =	sst s0  }
0x18: {  	s0 =	sld [smem:$0x3F99];
	_ =	swait.ge [sflag:s4], $0x0  }
0x19: {  	s7 =	sld [smem:$0x3F9A]  }
0x1a: {  	s8 =	sadd.s32 $0xFFFFE003, lr  }
0x1b: {  	s9 =	sadd.s32 $0xFFFFFEF7, lr;
	s5 =	simm.s32 $0xFFFFFFFF;
	p2 =	slt.u32 s8, $0xFFFFF086  }
0x1c: {  	p1 =	slt.u32 s9, $0xF7A;
	s5 =	simm.s32 @!p2 $0x0  }
0x1d: {  	s5 =	simm.s32 @p1 $0x1;
	p0 =	seq.s32 s7, s2  }
0x1e: {  	s7 =	smul.u32 @!p0 $0xF7A, s2;
	p2 =	seq.s32 @!p0 s5, $0x0  }
0x1f: {  	s9 =	smul.u32 $0xF7A, s1;
	s8 =	simm.s32 @!p0 $0x1BF5;
	p2 =	por !p2, p0  }
0x20: {  	[sflag:s8] =	ssyncset.s32 @!p0 $0xFFFFF086;
	s6 =	sadd.s32 @!p0 s3, s7;
	s7 =	simm.s32 @!p0 $0x108  }
0x21: {  	s3 =	sadd.s32 s3, s9;
	s6 =	sadd.s32 @!p0 $0x88, s6;
	s7 =	simm.s32 @p2 $0x1082  }
0x22: {  	[simem:s7], [sflag:s8] =	dma.local @!p0 [hbm:s6], $0xF7A  }
0x23: {  	s9 =	sor.u32 $0xD0000000, s2;
	s6 =	simm.s32 $0x108;
	_ =	swait.ge @!p0 [sflag:s8], $0x0  }
0x24: {  	s3 =	sadd.s32 $0x88, s3;
	s6 =	simm.s32 @!p1 $0x1082;
	[sflag:s4] =	ssyncset.s32 $0xFFFFF086  }
0x25: {  	[simem:s6], [sflag:s4] =	dma.local [hbm:s3], $0xF7A  }
0x26: {  	[smem:$0x3F9A] =	sst s1;
	(tag) =	ssettag s2;
	_ =	strace s9  }
0x27: {  	s1 =	sld [smem:$0x3FAA]  }
0x28: {  	s2 =	sld [smem:$0x3FAB]  }
0x29: {  	s4 =	sld [smem:$0x3FAD]  }
0x2a: {  	p0 =	seq.s32 s5, $0x0;
	s5 =	sld [smem:$0x3FAE]  }
0x2b: {  	s6 =	sld [smem:$0x3FAF]  }
0x2c: {  	s7 =	sld [smem:$0x3FB0]  }
0x2d: {  	s3 =	simm.s32 $0x108;
	s8 =	sld [smem:$0x3FB1]  }
0x2e: {  	s3 =	simm.s32 @!p0 $0x1082;
	s9 =	sld [smem:$0x3FB2]  }
0x2f: {  	lr =	sadd.s32 s0, s3;
	s0 =	sld [smem:$0x3FA9]  }
0x30: {  	s3 =	sld [smem:$0x3FAC]  }
0x31: {  	[smem:$0x3FB5] =	sst s10  }
0x32: {  	s10 =	sld [smem:$0x3FB3];
	_ =	sdelay $0x3  }
0x33: {  	p0 =	seq.s32 s10, $0x1;
	s10 =	sld [smem:$0x3FB5];
	_ =	sdelay $0x3  }
0x34: {  	[smem:$0x3FB5] =	sst s10  }
0x35: {  	s10 =	sld [smem:$0x3FB4];
	_ =	sdelay $0x3  }
0x36: {  	p1 =	seq.s32 s10, $0x1;
	s10 =	sld [smem:$0x3FB5];
	_ =	sdelay $0x3  }
0x37: {  	[smem:$0x3FB5] =	sst s10  }
0x38: {  	s10 =	sld [smem:$0x3FB6]  }
0x39: {  	_ = 	snop;
	(pc) =	sbr.ind lr, $3  }
0x3a: {  	_ = 	snop  }
0x3b: {  	_ = 	snop  }
0x3c: {  	p2 =	seq.s32 s10, $0x1;
	s10 =	sld [smem:$0x3FB5]  }
0x3d: {  	_ =	shalt  }
0x3e: {  	_ =	shalt  }
0x3f: {  	_ =	shalt  }
0x40: {  	_ =	shalt  }
0x41: {  	_ =	shalt  }
0x42: {  	_ =	shalt  }
0x43: {  	_ =	shalt  }
0x44: {  	_ =	shalt  }
0x45: {  	_ =	shalt  }
0x46: {  	_ =	shalt  }
0x47: {  	_ =	shalt  }
0x48: {  	_ =	shalt  }
0x49: {  	_ =	shalt  }
0x4a: {  	_ =	shalt  }
0x4b: {  	_ =	shalt  }
0x4c: {  	_ =	shalt  }
0x4d: {  	_ =	shalt  }
0x4e: {  	_ =	shalt  }
0x4f: {  	_ =	shalt  }
0x50: {  	_ =	shalt  }
0x51: {  	_ =	shalt  }
0x52: {  	_ =	shalt  }
0x53: {  	_ =	shalt  }
0x54: {  	_ =	shalt  }
0x55: {  	_ =	shalt  }
0x56: {  	_ =	shalt  }
0x57: {  	_ =	shalt  }
0x58: {  	_ =	shalt  }
0x59: {  	_ =	shalt  }
0x5a: {  	_ =	shalt  }
0x5b: {  	_ =	shalt  }
0x5c: {  	_ =	shalt  }
0x5d: {  	_ =	shalt  }
0x5e: {  	_ =	shalt  }
0x5f: {  	_ =	shalt  }
0x60: {  	_ =	shalt  }
0x61: {  	_ =	shalt  }
0x62: {  	_ =	shalt  }
0x63: {  	_ =	shalt  }
0x64: {  	_ =	shalt  }
0x65: {  	_ =	shalt  }
0x66: {  	_ =	shalt  }
0x67: {  	_ =	shalt  }
0x68: {  	_ =	shalt  }
0x69: {  	_ =	shalt  }
0x6a: {  	_ =	shalt  }
0x6b: {  	_ =	shalt  }
0x6c: {  	_ =	shalt  }
0x6d: {  	_ =	shalt  }
0x6e: {  	_ =	shalt  }
0x6f: {  	_ =	shalt  }
0x70: {  	_ =	shalt  }
0x71: {  	_ =	shalt  }
0x72: {  	_ =	shalt  }
0x73: {  	_ =	shalt  }
0x74: {  	_ =	shalt  }
0x75: {  	_ =	shalt  }
0x76: {  	_ =	shalt  }
0x77: {  	_ =	shalt  }
0x78: {  	_ =	shalt  }
0x79: {  	_ =	shalt  }
0x7a: {  	_ =	shalt  }
0x7b: {  	_ =	shalt  }
0x7c: {  	_ =	shalt  }
0x7d: {  	_ =	shalt  }
0x7e: {  	_ =	shalt  }
0x7f: {  	_ =	shalt  }
0x80: {  	_ =	shalt  }
0x81: {  	_ =	shalt  }
0x82: {  	_ =	shalt  }
0x83: {  	_ =	shalt  }
0x84: {  	_ =	shalt  }
0x85: {  	_ =	shalt  }
0x86: {  	_ =	shalt  }
0x87: {  	_ =	shalt  }
.Lfunc_end0:
.L_simem_size_0:
called_computation_lowered:
.L_overlay_start_0:
0x88: {  	s2 =	sld [smem:$0x3FD9]  }
0x89: {  	s3 =	sld [smem:$0x3FFE];
	_ =	sdelay $0x1  }
0x8a: {  	s1 =	srdreg.scid  }
0x8b: {  	s0 =	sand.u32 $0x1, s1  }
0x8c: {  	s17 =	sshll.u32 s0, $0xA;
	s2 =	sadd.s32 s3, s2  }
0x8d: {  	s2 =	sadd.s32 s2, s17  }
0x8e: {  	[smem:$0x3FC1] =	sst s2  }
0x8f: {  	_ = 	snop  }
0x90: {  	s2 =	sld [smem:$0x3FC8];
	(tm) =	ssettm $0x1  }
0x91: {  	s18 =	sld [smem:$0x3FFB];
	_ =	sdelay $0x3  }
0x92: {  	_ =	strace s18  }
0x93: {  	s3 =	sld [smem:$0x3FFC];
	_ =	sdelay $0x3  }
0x94: {  	_ =	strace s3  }
0x95: {  	s3 =	sld [smem:$0x3FFD];
	_ =	sdelay $0x3  }
0x96: {  	_ =	strace s3  }
0x97: {  	_ =	strace $0x8FFFFFFF  }
0x98: {  	s19 =	sld [smem:$0x3FDB];
	_ =	sdelay $0x1  }
0x99: {  	s4 =	simm.s32 $_scs_section_size  }
0x9a: {  	s5 =	simm.s32 $_size__tile_overlayer_lowered;
	s6 =	simm.s32 $_tile_overlayer_lowered  }
0x9b: {  	s22 =	simm.s32 $0x1BFF;
	s21 =	sshll.u32 s6, $0x1;
	s3 =	sadd.s32 s4, s19  }
0x9c: {  	s7 =	simm.s32 $0x0;
	s20 =	sshll.u32 s5, $0x1;
	s5 =	sadd.s32 s21, s3  }
0x9d: {  	[timem:s7], [sflag:s22] =	dma.local [hbm:s5], s20  }
0x9e: {  	_ =	swait.ge [sflag:s22], s20  }
0x9f: {  	s4 =	ssub.s32 $0x0, s20;
	[sflag:s22] =	ssyncset.done $0x0  }
0xa0: {  	[sflag:s22] =	ssyncadd.s32 s4;
	_ =	sdelay $0x1  }
0xa1: {  	s23 =	simm.s32 $0x1B8B  }
0xa2: {  	_ =	swait.ge [sflag:s23], $0x1  }
0xa3: {  	[sflag:s23] =	ssyncset.done $0x0  }
0xa4: {  	s25 =	simm.s32 $0x1B8E;
	s24 =	sld [smem:$0x3FFE];
	[sflag:s23] =	ssyncadd.s32 $0xFFFFFFFF  }
0xa5: {  	s26 =	simm.s32 $execute0_lowered;
	[smem:$0x3FD2] =	sst s25  }
0xa6: {  	s5 =	sshll.u32 s26, $0x1;
	_ =	strace $0x80000046;
	[dreg:$0x1] =	wrdreg $0xFFFFFFFF  }
0xa7: {  	s28 =	simm.s32 $_size_execute0_lowered;
	s3 =	sadd.s32 s3, s5;
	[dreg:$0x0] =	wrdreg $0x0  }
0xa8: {  	s5 =	sshll.u32 s28, $0x1;
	[dreg:$0x2] =	wrdreg s3  }
0xa9: {  	[dreg:$0x3] =	wrdreg s5  }
0xaa: {  	[dreg:$0x4] =	wrdreg $0xC0  }
0xab: {  	_ =	task [dreg:s7], $0x5FFFF  }
0xac: {  	[dreg:$0x1] =	wrdreg $0xFFFFFFFF  }
0xad: {  	[dreg:$0x0] =	wrdreg $0x60  }
0xae: {  	[dreg:$0x2] =	wrdreg s24  }
0xaf: {  	[dreg:$0x3] =	wrdreg s2  }
0xb0: {  	[dreg:$0x4] =	wrdreg $0x9  }
0xb1: {  	_ =	task.clear_ibuf [dreg:s7], $0x5FFFF;
	_ =	strace $0x90000046  }
0xb2: {  	s29 =	simm.s32 $0x9;
	_ =	strace $0x80000048  }
0xb3: {  	_ =	swait.ge [sflag:s29], $0x1  }
0xb4: {  	[sflag:s29] =	ssyncadd.s32 $0xFFFFFFFF  }
0xb5: {  	_ =	strace $0x90000048  }
0xb6: {  	_ =	sfence  }
0xb7: {  	s30 =	sld [smem:$0x0];
	_ =	sdelay $0x2  }
0xb8: {  	s31 =	sshll.u32 s1, $0xD;
	s1 =	sshrl.u32 s1, $0x2  }
0xb9: {  	s3 =	sand.u32 $0x4000, s31;
	s1 =	sadd.s32 s1, s30  }
0xba: {  	s0 =	sor.u32 s3, s0;
	s1 =	sshll.u32 s1, $0x11  }
0xbb: {  	s0 =	sor.u32 s1, s0  }
0xbc: {  	s0 =	sadd.s32 $0x8F2B, s0  }
0xbd: {  	[sflag:s0] =	ssyncadd.remote.s32 $0x1  }
0xbe: {  	_ =	sfence.sel $0xFFFF  }
0xbf: {  	[dreg:$0x0] =	wrdreg $0xFFFFFFFF;
	(pc) =	sbr.abs _section_cstart, $3  }
0xc0: {  	[dreg:$0x1] =	wrdreg $0xFFFFFFFF  }
0xc1: {  	_ =	task.clear_ibuf [dreg:s7], $0x2FFFF;
	_ =	strace $0x9FFFFFFF  }
0xc2: {  	(tm) =	ssettm $0x7FFFFFFF  }
0xc3: {  	_ =	shalt  }
tec
execute0_lowered:
.L_overlay_start_1:
0x0: {  	(tag) =	ssettag $0x1  }
0x1: {  	s1 =	srdreg.scid;
	s9 =	rddreg [dreg:$0x0]  }
0x2: {  	s0 =	stileid.u32;
	s3 =	rddreg [dreg:$0x1]  }
0x3: {  	s2 =	simm.s32 $0x0;
	s7 =	simm.s32 $0x80;
	s6 =	sand.u32 $0x1, s1  }
0x4: {  	s4 =	sshll.u32 s0, $0x6;
	s1 =	rddreg [dreg:$0x2];
	s5 =	sshll.u32 s6, $0x5  }
0x5: {  	s8 =	simm.s32 $0x1;
	[smem:$0x7FF] =	sst s2;
	s10 =	sor.u32 s5, s4  }
0x6: {  	_ =	strace $0x80000047;
	s11 =	ssub.s32 $0x2, s6;
	s4 =	sshrl.u32 s10, $0x3  }
0x7: {  	s6 =	simm.s32 $0x20;
	s4 =	sadd.s32 s3, s4;
	s3 =	simm.s32 $0x2  }
0x8: {  	[tilespmem:s2], [sflag:$0x2] =	stream.linear.gather [hbm4b:s4+s2], $0x20, $0x38;
	[tilespmem:$0x1080] =	vst v63  }
0x9: {  	s5 =	sadd.s32 $0x2E00, s9;
	s12 =	sshrl.u32 s11, $0x1;
	_ =	swait.ge [sflag:s3], $0x20  }
0xa: {  	s10 =	sshll.u32 s10, $0x4;
	s31 =	ssub.s32 s11, s12;
	[sflag:s3] =	ssyncset.done $0x0  }
0xb: {  	s9 =	sadd.s32 s10, s9;
	s10 =	smax.u32 s31, $0x1;
	[sflag:s3] =	ssyncadd.s32 $0xFFFFFFE0  }
0xc: {  	[tilespmem:s7], [sflag:$0x1] =	stream.indirect.gather [hbm4b:s5+s6], $0x80, s2, s6, $0xb8;
	[tilespmem:$0x1080] =	vst v63  }
0xd: {  	p0 =	sne.s32 s10, $0x1;
	_ =	swait.ge [sflag:s8], $0x1000  }
.Ltmp0:
0xe: {  	[sflag:s8] =	ssyncset.done $0x0;
	(pc) =	sbr.rel @!p0 .LBB2_2-.Ltmp0, $4  }
0xf: {  	s9 =	sadd.s32 $0x42E00, s9;
	[sflag:s8] =	ssyncadd.s32 $0xFFFFF000  }
0x10: {  	[hbm4b:s9+s2] =	stream.linear.scatter [tilespmem:s7], [sflag:$0x2], $0x1000, $0x38;
	[tilespmem:$0x1080] =	vst v63  }
0x11: {  	_ =	swait.ge [sflag:s3], $0x1000  }
0x12: {  	s10 =	sadd.s32 $0xFFFFFFFF, s10;
	[sflag:s3] =	ssyncset.done $0x0  }
.LBB2_1:
0x13: {  	p0 =	sne.s32 s10, $0x1;
	s10 =	sadd.s32 $0xFFFFFFFF, s10;
	[sflag:s3] =	ssyncadd.s32 $0xFFFFF000  }
0x14: {  	[tilespmem:s2], [sflag:$0x2] =	stream.linear.gather [hbm4b:s4+s2], $0x20, $0x38;
	[tilespmem:$0x1080] =	vst v63  }
0x15: {  	_ =	swait.ge [sflag:s3], $0x20  }
0x16: {  	[sflag:s3] =	ssyncset.done $0x0  }
0x17: {  	[sflag:s3] =	ssyncadd.s32 $0xFFFFFFE0  }
0x18: {  	[tilespmem:s7], [sflag:$0x1] =	stream.indirect.gather [hbm4b:s5+s6], $0x80, s2, s6, $0xb8;
	[tilespmem:$0x1080] =	vst v63  }
0x19: {  	_ =	swait.ge [sflag:s8], $0x1000  }
.Ltmp1:
0x1a: {  	[sflag:s8] =	ssyncset.done $0x0;
	(pc) =	sbr.rel @p0 .LBB2_1-.Ltmp1, $4  }
0x1b: {  	[sflag:s8] =	ssyncadd.s32 $0xFFFFF000  }
0x1c: {  	[hbm4b:s9+s2] =	stream.linear.scatter [tilespmem:s7], [sflag:$0x2], $0x1000, $0x38;
	[tilespmem:$0x1080] =	vst v63  }
0x1d: {  	_ =	swait.ge [sflag:s3], $0x1000  }
0x1e: {  	[sflag:s3] =	ssyncset.done $0x0  }
.LBB2_2:
0x1f: {  	[sflag:s3] =	ssyncadd.s32 $0xFFFFF000  }
0x20: {  	_ =	sfence.sel $0x180000  }
0x21: {  	[bflag:$0x0] =	sbarrier.arrive $0xFFFF  }
0x22: {  	p0 =	sne.s32 s0, $0x0;
	_ =	strace $0x90000047  }
0x23: {  	s0 =	sadd.s32 @!p0 $0x100000, s1;
	[bflag:$0x2] =	sbarrier.arrive $0xFFFF  }
0x24: {  	[sflag:s0] =	ssyncadd.tile.s32 @!p0 $0x1;
	_ =	shalt  }
.Lfunc_end2:
_tile_overlayer_lowered:
.L_overlay_start_2:
0x25: {  	(tag) =	ssettag $0x2  }
0x26: {  	s0 =	rddreg [dreg:$0x0];
	s2 =	stileid.u32  }
0x27: {  	s1 =	rddreg [dreg:$0x1];
	p0 =	sne.s32 s2, $0x0  }
0x28: {  	s3 =	rddreg [dreg:$0x2];
	[bflag:$0x3] =	sbarrier.arrive $0xFFFF;
	s2 =	simm.s32 @!p0 $0x1C02  }
0x29: {  	[timem:s3], [sflag:s2] =	dma.local @!p0 [hbm:s0], s1  }
0x2a: {  	s0 =	simm.s32 @!p0 $0x2  }
0x2b: {  	_ =	swait.ge @!p0 [sflag:s0], s1  }
0x2c: {  	s1 =	ssub.s32 @!p0 $0x0, s1;
	[sflag:s0] =	ssyncset.done @!p0 $0x0  }
0x2d: {  	[sflag:s0] =	ssyncadd.s32 @!p0 s1  }
0x2e: {  	[bflag:$0x3] =	sbarrier.arrive $0xFFFF  }
0x2f: {  	_ =	shalt  }

</sc_bundles>
